<compile_context>
chip_gen: v7x
topology: tpu7x:2x2x1
jax: 0.10.2.dev20260603
libtpu: 0.0.44.dev20260713+nightly
codegen_flags: <defaults>
</compile_context>

<pallas_src>
import functools

import jax
import jax.numpy as jnp
from jax import lax
from jax.experimental import pallas as pl
from jax.experimental.pallas import tpu as pltpu
from jax.experimental.pallas import tpu_sc as plsc

_EPS = 1e-5


def _build_gather_call(B, S, V, D, soff):
    N = B * S
    info = plsc.get_sparse_core_info()
    NC, NS = info.num_cores, info.num_subcores
    NW = NC * NS
    R = N // NW
    K = 16
    NB = 4
    G = R // K
    WPB = S // R
    assert N % NW == 0 and R % K == 0 and S % R == 0 and G >= NB

    mesh = plsc.VectorSubcoreMesh(core_axis_name="c", subcore_axis_name="s")

    @functools.partial(
        pl.kernel,
        mesh=mesh,
        out_type=jax.ShapeDtypeStruct((N, D), jnp.float32),
        compiler_params=pltpu.CompilerParams(needs_layout_passes=False),
        scratch_types=[
            pltpu.VMEM((R,), jnp.int32),
            pltpu.VMEM((NB, K, D), jnp.float32),
            pltpu.SemaphoreType.DMA((NB,)),
            pltpu.SemaphoreType.DMA((NB,)),
        ],
    )
    def gather_kernel(ids_hbm, word_hbm, out_hbm, ids_v, rows_v, gsem, osem):
        wid = lax.axis_index("s") * NC + lax.axis_index("c")
        base = wid * R
        pltpu.sync_copy(
            ids_hbm.at[wid // WPB, pl.ds(soff + (wid % WPB) * R, R)], ids_v)

        def start_gather(g, b):
            pltpu.async_copy(word_hbm.at[ids_v.at[pl.ds(g * K, K)]],
                             rows_v.at[b], gsem.at[b])

        def wait_writeback(b):
            pltpu.make_async_copy(
                rows_v.at[b], out_hbm.at[pl.ds(base, K)], osem.at[b]
            ).wait()

        for g in range(NB - 1):
            start_gather(g, g)

        def chunk_body(g, carry):
            b = lax.rem(g, NB)
            pltpu.make_async_copy(word_hbm.at[ids_v.at[pl.ds(g * K, K)]],
                                  rows_v.at[b], gsem.at[b]).wait()
            pltpu.async_copy(rows_v.at[b],
                             out_hbm.at[pl.ds(base + g * K, K)], osem.at[b])

            @pl.when(g + NB - 1 < G)
            def _():
                nxt = lax.rem(g + NB - 1, NB)

                @pl.when(g >= 1)
                def _():
                    wait_writeback(nxt)

                start_gather(g + NB - 1, nxt)

            return carry

        lax.fori_loop(0, G, chunk_body, 0)
        for k in range(NB):
            wait_writeback((G - NB + k) % NB)

    return gather_kernel


def _ln_block_kernel(g_ref, p_ref, gamma_ref, beta_ref, o_ref):
    x = g_ref[...] + p_ref[...]
    d = x.shape[1]
    mean = jnp.sum(x, axis=1, keepdims=True) * (1.0 / d)
    ex2 = jnp.sum(x * x, axis=1, keepdims=True) * (1.0 / d)
    rstd = lax.rsqrt(ex2 - mean * mean + _EPS)
    o_ref[...] = ((x - mean) * rstd) * gamma_ref[...] + beta_ref[...]


def _ln_chain_kernel(prev_ref, g_ref, p_ref, gamma_ref, beta_ref, o_ref):
    del prev_ref
    _ln_block_kernel(g_ref, p_ref, gamma_ref, beta_ref, o_ref)


def _build_ln_call(N, S, D, BLK, B, SS, seq_off, chained):
    pb_slice = SS // BLK
    s_blocks = S // BLK
    pb_off = seq_off // BLK
    grid = (pb_slice, B)

    data_specs = [
        pl.BlockSpec((BLK, D), lambda i, j: (j * pb_slice + i, 0)),
        pl.BlockSpec((BLK, D), lambda i, j: (pb_off + i, 0)),
        pl.BlockSpec((1, D), lambda i, j: (0, 0)),
        pl.BlockSpec((1, D), lambda i, j: (0, 0)),
    ]
    if chained:
        in_specs = [pl.BlockSpec(memory_space=pl.ANY)] + data_specs
        body = _ln_chain_kernel
        aliases = {0: 0}
    else:
        in_specs = data_specs
        body = _ln_block_kernel
        aliases = {}

    return pl.pallas_call(
        body,
        grid=grid,
        in_specs=in_specs,
        out_specs=pl.BlockSpec(
            (BLK, D),
            lambda i, j: (j * s_blocks + pb_off + i, 0),
        ),
        out_shape=jax.ShapeDtypeStruct((N, D), jnp.float32),
        input_output_aliases=aliases,
        compiler_params=pltpu.CompilerParams(
            dimension_semantics=("arbitrary", "arbitrary"),
        ),
    )


def kernel(input_ids, word_table, pos_table, ln_gamma, ln_beta):
    B, S = input_ids.shape
    V, D = word_table.shape
    N = B * S
    NSLICES = 2
    SS = S // NSLICES
    BLK = min(SS, 1024)
    ids = input_ids.astype(jnp.int32)
    gamma2 = ln_gamma.reshape(1, D)
    beta2 = ln_beta.reshape(1, D)

    gathered = [_build_gather_call(B, SS, V, D, s * SS)(ids, word_table)
                for s in range(NSLICES)]

    out = None
    for s in range(NSLICES):
        ln = _build_ln_call(N, S, D, BLK, B, SS, s * SS, chained=s > 0)
        if s == 0:
            out = ln(gathered[s], pos_table, gamma2, beta2)
        else:
            out = ln(out, gathered[s], pos_table, gamma2, beta2)
    return out.reshape(B, S, D)

# --- scband reference (transcript-rebuilt; emitter-appended) ---
"""Pipeline reference for scband-transparency-embeddings-47888885351090 (READ-ONLY COPY).

The authoritative reference and input builder live on the scoring server;
editing this copy changes nothing except your own understanding.
"""

import jax, jax.numpy as jnp
import numpy as np

VOCAB = 50257
MAX_POS = 8192
HIDDEN = 1024
B, S = 4, 2048

def setup_inputs(seed: int = 0) -> dict:
    key = jax.random.key(seed)
    k1, k2, k3 = jax.random.split(key, 3)
    input_ids = jax.random.randint(k1, (B, S), 0, VOCAB, dtype=jnp.int64 if jax.config.jax_enable_x64 else jnp.int32)
    word_table = jax.random.normal(k2, (VOCAB, HIDDEN), dtype=jnp.float32) * 0.02
    pos_table = jax.random.normal(k3, (MAX_POS, HIDDEN), dtype=jnp.float32) * 0.02
    ln_gamma = jnp.ones((HIDDEN,), dtype=jnp.float32)
    ln_beta = jnp.zeros((HIDDEN,), dtype=jnp.float32)
    return {"input_ids": input_ids, "word_table": word_table, "pos_table": pos_table, "ln_gamma": ln_gamma, "ln_beta": ln_beta}

def _layer_norm(x, gamma, beta, eps=1e-5):
    mean = jnp.mean(x, axis=-1, keepdims=True)
    var = jnp.mean(jnp.square(x - mean), axis=-1, keepdims=True)
    xhat = (x - mean) * jax.lax.rsqrt(var + eps)
    return xhat * gamma + beta

def reference(input_ids, word_table, pos_table, ln_gamma, ln_beta):
    seq_length = input_ids.shape[1]
    position_ids = jnp.arange(seq_length, dtype=input_ids.dtype)
    position_ids = jnp.broadcast_to(position_ids[None, :], input_ids.shape)
    word_embeds = jnp.take(word_table, input_ids, axis=0)
    position_embeds = jnp.take(pos_table, position_ids, axis=0)
    embeddings = word_embeds + position_embeds
    embeddings = _layer_norm(embeddings, ln_gamma, ln_beta)
    # dropout is identity in eval mode
    return embeddings

if __name__ == "__main__":
    import jax
    _d = setup_inputs()
    print(jax.jit(kernel)(*tuple(_d.values())))

</pallas_src>

<mosaic_0001>
#map = affine_map<(d0, d1) -> (0, 0)>
module attributes {stable_mosaic.version = 14 : i64} {
  func.func @gather_kernel(%arg0: i32, %arg1: i32, %arg2: memref<4x2048xi32, #tpu.memory_space<hbm>>, %arg3: memref<50257x1024xf32, #tpu.memory_space<hbm>>, %arg4: memref<4096x1024xf32, #tpu.memory_space<hbm>>, %arg5: memref<128xi32, #tpu.memory_space<vmem>>, %arg6: memref<4x16x1024xf32, #tpu.memory_space<vmem>>, %arg7: memref<4x!tpu.dma_semaphore, #tpu.memory_space<semaphore_mem>>, %arg8: memref<4x!tpu.dma_semaphore, #tpu.memory_space<semaphore_mem>>) attributes {dimension_semantics = [#tpu.dimension_semantics<core_parallel>, #tpu.dimension_semantics<subcore_parallel>], iteration_bounds = array<i64: 2, 16>, scalar_prefetch = 0 : i64, scratch_operands = 4 : i64, tpu.core_type = #tpu.core_type<sc_vector_subcore>, window_params = [{transform_indices = #map}, {transform_indices = #map}, {transform_indices = #map}]} {
    %mul3A = arith.constant 2 : i32
    %mul3A_0 = arith.muli %arg1, %mul3A : i32
    %add3A = arith.addi %mul3A_0, %arg0 : i32
    %mul3A_1 = arith.constant 128 : i32
    %mul3A_2 = arith.muli %add3A, %mul3A_1 : i32
    %jit3A = arith.constant 8 : i32
    %div3A = arith.divsi %add3A, %jit3A : i32
    %sign3A = arith.constant 0 : i32
    %sign3A_3 = arith.cmpi sgt, %add3A, %sign3A : i32
    %sign3A_4 = arith.extui %sign3A_3 : i1 to i32
    %sign3A_5 = arith.constant 0 : i32
    %sign3A_6 = arith.cmpi slt, %add3A, %sign3A_5 : i32
    %sign3A_7 = arith.extui %sign3A_6 : i1 to i32
    %sign3A_8 = arith.subi %sign3A_4, %sign3A_7 : i32
    %sign3A_9 = arith.constant 0 : i32
    %sign3A_10 = arith.cmpi sgt, %jit3A, %sign3A_9 : i32
    %sign3A_11 = arith.extui %sign3A_10 : i1 to i32
    %sign3A_12 = arith.constant 0 : i32
    %sign3A_13 = arith.cmpi slt, %jit3A, %sign3A_12 : i32
    %sign3A_14 = arith.extui %sign3A_13 : i1 to i32
    %sign3A_15 = arith.subi %sign3A_11, %sign3A_14 : i32
    %ne3A = arith.cmpi ne, %sign3A_8, %sign3A_15 : i32
    %rem3A = arith.remsi %add3A, %jit3A : i32
    %ne3A_16 = arith.constant 0 : i32
    %ne3A_17 = arith.cmpi ne, %rem3A, %ne3A_16 : i32
    %and3A = arith.andi %ne3A, %ne3A_17 : i1
    %sub3A = arith.constant 1 : i32
    %sub3A_18 = arith.subi %div3A, %sub3A : i32
    %select_n3A = arith.select %and3A, %sub3A_18, %div3A : i32
    %jit3A_19 = arith.constant 8 : i32
    %eq3A = arith.constant 0 : i32
    %eq3A_20 = arith.cmpi eq, %jit3A_19, %eq3A : i32
    %jit3A_21 = arith.constant 1 : i32
    %select_n3A_22 = arith.select %eq3A_20, %jit3A_21, %jit3A_19 : i32
    %rem3A_23 = arith.remsi %add3A, %select_n3A_22 : i32
    %ne3A_24 = arith.constant 0 : i32
    %ne3A_25 = arith.cmpi ne, %rem3A_23, %ne3A_24 : i32
    %lt3A = arith.constant 0 : i32
    %lt3A_26 = arith.cmpi slt, %rem3A_23, %lt3A : i32
    %lt3A_27 = arith.constant 0 : i32
    %lt3A_28 = arith.cmpi slt, %select_n3A_22, %lt3A_27 : i32
    %ne3A_29 = arith.xori %lt3A_26, %lt3A_28 : i1
    %and3A_30 = arith.andi %ne3A_29, %ne3A_25 : i1
    %add3A_31 = arith.addi %rem3A_23, %select_n3A_22 : i32
    %select_n3A_32 = arith.select %and3A_30, %add3A_31, %rem3A_23 : i32
    %mul3A_33 = arith.constant 128 : i32
    %mul3A_34 = arith.muli %select_n3A_32, %mul3A_33 : i32
    %add3A_35 = arith.constant 0 : i32
    %add3A_36 = arith.addi %add3A_35, %mul3A_34 : i32
    "tpu.region"() ({
      %run_scoped3A = tpu.sem_alloc : memref<!tpu.dma_semaphore, #tpu.memory_space<semaphore_mem>>
      %dma_start3A_143 = tpu.memref_slice %arg2[%select_n3A, %add3A_36] : memref<4x2048xi32, #tpu.memory_space<hbm>> -> memref<1x128xi32, #tpu.memory_space<hbm>>
      %dma_start3A_144 = tpu.memref_squeeze %dma_start3A_143 : memref<1x128xi32, #tpu.memory_space<hbm>> -> memref<128xi32, #tpu.memory_space<hbm>>
      %dma_start3A_145 = tpu.memref_slice %arg2[%select_n3A, %add3A_36] : memref<4x2048xi32, #tpu.memory_space<hbm>> -> memref<1x128xi32, #tpu.memory_space<hbm>>
      %dma_start3A_146 = tpu.memref_squeeze %dma_start3A_145 : memref<1x128xi32, #tpu.memory_space<hbm>> -> memref<128xi32, #tpu.memory_space<hbm>>
      tpu.enqueue_dma source(%dma_start3A_146 : memref<128xi32, #tpu.memory_space<hbm>>) target(%arg5 : memref<128xi32, #tpu.memory_space<vmem>>) target_semaphore(%run_scoped3A : memref<!tpu.dma_semaphore, #tpu.memory_space<semaphore_mem>>)
      %dma_wait3A_147 = tpu.memref_slice %arg2[%select_n3A, %add3A_36] : memref<4x2048xi32, #tpu.memory_space<hbm>> -> memref<1x128xi32, #tpu.memory_space<hbm>>
      %dma_wait3A_148 = tpu.memref_squeeze %dma_wait3A_147 : memref<1x128xi32, #tpu.memory_space<hbm>> -> memref<128xi32, #tpu.memory_space<hbm>>
      %dma_wait3A_149 = tpu.memref_slice %arg2[%select_n3A, %add3A_36] : memref<4x2048xi32, #tpu.memory_space<hbm>> -> memref<1x128xi32, #tpu.memory_space<hbm>>
      %dma_wait3A_150 = tpu.memref_squeeze %dma_wait3A_149 : memref<1x128xi32, #tpu.memory_space<hbm>> -> memref<128xi32, #tpu.memory_space<hbm>>
      tpu.wait_dma2 semaphore(%run_scoped3A : memref<!tpu.dma_semaphore, #tpu.memory_space<semaphore_mem>>) src(%dma_wait3A_150 : memref<128xi32, #tpu.memory_space<hbm>>) dst(%arg5 : memref<128xi32, #tpu.memory_space<vmem>>)
      tpu.yield
    }) : () -> ()
    %dma_start3A = arith.constant 0 : i32
    %dma_start3A_37 = arith.constant 0 : i32
    %dma_start3A_38 = arith.constant 0 : i32
    %dma_start3A_39 = arith.constant 0 : i32
    %dma_start3A_40 = tpu.memref_slice %arg6[%dma_start3A, %dma_start3A_38, %dma_start3A_39] : memref<4x16x1024xf32, #tpu.memory_space<vmem>> -> memref<1x16x1024xf32, #tpu.memory_space<vmem>>
    %dma_start3A_41 = tpu.memref_squeeze %dma_start3A_40 : memref<1x16x1024xf32, #tpu.memory_space<vmem>> -> memref<16x1024xf32, #tpu.memory_space<vmem>>
    %dma_start3A_42 = arith.constant 0 : i32
    %dma_start3A_43 = tpu.memref_slice %arg5[%dma_start3A_42] : memref<128xi32, #tpu.memory_space<vmem>> -> memref<16xi32, #tpu.memory_space<vmem>>
    %dma_start3A_44 = arith.constant 0 : i32
    %dma_start3A_45 = arith.constant 0 : i32
    %dma_start3A_46 = tpu.memref_slice %arg3[%dma_start3A_44, %dma_start3A_45] : memref<50257x1024xf32, #tpu.memory_space<hbm>> -> memref<50257x1024xf32, #tpu.memory_space<hbm>>
    %dma_start3A_47 = tpu.memref_slice %arg7[%dma_start3A_37] : memref<4x!tpu.dma_semaphore, #tpu.memory_space<semaphore_mem>> -> memref<1x!tpu.dma_semaphore, #tpu.memory_space<semaphore_mem>>
    %dma_start3A_48 = tpu.memref_squeeze %dma_start3A_47 : memref<1x!tpu.dma_semaphore, #tpu.memory_space<semaphore_mem>> -> memref<!tpu.dma_semaphore, #tpu.memory_space<semaphore_mem>>
    tpu.enqueue_indirect_dma source(%dma_start3A_46 : memref<50257x1024xf32, #tpu.memory_space<hbm>>) target(%dma_start3A_41 : memref<16x1024xf32, #tpu.memory_space<vmem>>) offsets(%dma_start3A_43 : memref<16xi32, #tpu.memory_space<vmem>>) semaphore(%dma_start3A_48 : memref<!tpu.dma_semaphore, #tpu.memory_space<semaphore_mem>>)
    %dma_start3A_49 = arith.constant 1 : i32
    %dma_start3A_50 = arith.constant 1 : i32
    %dma_start3A_51 = arith.constant 0 : i32
    %dma_start3A_52 = arith.constant 0 : i32
    %dma_start3A_53 = tpu.memref_slice %arg6[%dma_start3A_49, %dma_start3A_51, %dma_start3A_52] : memref<4x16x1024xf32, #tpu.memory_space<vmem>> -> memref<1x16x1024xf32, #tpu.memory_space<vmem>>
    %dma_start3A_54 = tpu.memref_squeeze %dma_start3A_53 : memref<1x16x1024xf32, #tpu.memory_space<vmem>> -> memref<16x1024xf32, #tpu.memory_space<vmem>>
    %dma_start3A_55 = arith.constant 16 : i32
    %dma_start3A_56 = tpu.memref_slice %arg5[%dma_start3A_55] : memref<128xi32, #tpu.memory_space<vmem>> -> memref<16xi32, #tpu.memory_space<vmem>>
    %dma_start3A_57 = arith.constant 0 : i32
    %dma_start3A_58 = arith.constant 0 : i32
    %dma_start3A_59 = tpu.memref_slice %arg3[%dma_start3A_57, %dma_start3A_58] : memref<50257x1024xf32, #tpu.memory_space<hbm>> -> memref<50257x1024xf32, #tpu.memory_space<hbm>>
    %dma_start3A_60 = tpu.memref_slice %arg7[%dma_start3A_50] : memref<4x!tpu.dma_semaphore, #tpu.memory_space<semaphore_mem>> -> memref<1x!tpu.dma_semaphore, #tpu.memory_space<semaphore_mem>>
    %dma_start3A_61 = tpu.memref_squeeze %dma_start3A_60 : memref<1x!tpu.dma_semaphore, #tpu.memory_space<semaphore_mem>> -> memref<!tpu.dma_semaphore, #tpu.memory_space<semaphore_mem>>
    tpu.enqueue_indirect_dma source(%dma_start3A_59 : memref<50257x1024xf32, #tpu.memory_space<hbm>>) target(%dma_start3A_54 : memref<16x1024xf32, #tpu.memory_space<vmem>>) offsets(%dma_start3A_56 : memref<16xi32, #tpu.memory_space<vmem>>) semaphore(%dma_start3A_61 : memref<!tpu.dma_semaphore, #tpu.memory_space<semaphore_mem>>)
    %dma_start3A_62 = arith.constant 2 : i32
    %dma_start3A_63 = arith.constant 2 : i32
    %dma_start3A_64 = arith.constant 0 : i32
    %dma_start3A_65 = arith.constant 0 : i32
    %dma_start3A_66 = tpu.memref_slice %arg6[%dma_start3A_62, %dma_start3A_64, %dma_start3A_65] : memref<4x16x1024xf32, #tpu.memory_space<vmem>> -> memref<1x16x1024xf32, #tpu.memory_space<vmem>>
    %dma_start3A_67 = tpu.memref_squeeze %dma_start3A_66 : memref<1x16x1024xf32, #tpu.memory_space<vmem>> -> memref<16x1024xf32, #tpu.memory_space<vmem>>
    %dma_start3A_68 = arith.constant 32 : i32
    %dma_start3A_69 = tpu.memref_slice %arg5[%dma_start3A_68] : memref<128xi32, #tpu.memory_space<vmem>> -> memref<16xi32, #tpu.memory_space<vmem>>
    %dma_start3A_70 = arith.constant 0 : i32
    %dma_start3A_71 = arith.constant 0 : i32
    %dma_start3A_72 = tpu.memref_slice %arg3[%dma_start3A_70, %dma_start3A_71] : memref<50257x1024xf32, #tpu.memory_space<hbm>> -> memref<50257x1024xf32, #tpu.memory_space<hbm>>
    %dma_start3A_73 = tpu.memref_slice %arg7[%dma_start3A_63] : memref<4x!tpu.dma_semaphore, #tpu.memory_space<semaphore_mem>> -> memref<1x!tpu.dma_semaphore, #tpu.memory_space<semaphore_mem>>
    %dma_start3A_74 = tpu.memref_squeeze %dma_start3A_73 : memref<1x!tpu.dma_semaphore, #tpu.memory_space<semaphore_mem>> -> memref<!tpu.dma_semaphore, #tpu.memory_space<semaphore_mem>>
    tpu.enqueue_indirect_dma source(%dma_start3A_72 : memref<50257x1024xf32, #tpu.memory_space<hbm>>) target(%dma_start3A_67 : memref<16x1024xf32, #tpu.memory_space<vmem>>) offsets(%dma_start3A_69 : memref<16xi32, #tpu.memory_space<vmem>>) semaphore(%dma_start3A_74 : memref<!tpu.dma_semaphore, #tpu.memory_space<semaphore_mem>>)
    %scan3A = arith.constant 0 : i32
    %scan3A_75 = arith.constant 0 : i32
    %scan3A_76 = arith.constant 8 : i32
    %scan3A_77 = arith.addi %scan3A_75, %scan3A_76 : i32
    %scan3A_78 = arith.constant 1 : i32
    scf.for %scan3A_143 = %scan3A_75 to %scan3A_77 step %scan3A_78  : i32 {
      %rem3A_144 = arith.constant 4 : i32
      %rem3A_145 = arith.remsi %scan3A_143, %rem3A_144 : i32
      %mul3A_146 = arith.constant 16 : i32
      %mul3A_147 = arith.muli %scan3A_143, %mul3A_146 : i32
      %dma_wait3A_148 = arith.constant 0 : i32
      %dma_wait3A_149 = arith.constant 0 : i32
      %dma_wait3A_150 = tpu.memref_slice %arg6[%rem3A_145, %dma_wait3A_148, %dma_wait3A_149] : memref<4x16x1024xf32, #tpu.memory_space<vmem>> -> memref<1x16x1024xf32, #tpu.memory_space<vmem>>
      %dma_wait3A_151 = tpu.memref_squeeze %dma_wait3A_150 : memref<1x16x1024xf32, #tpu.memory_space<vmem>> -> memref<16x1024xf32, #tpu.memory_space<vmem>>
      %dma_wait3A_152 = tpu.memref_slice %arg5[%mul3A_147] : memref<128xi32, #tpu.memory_space<vmem>> -> memref<16xi32, #tpu.memory_space<vmem>>
      %dma_wait3A_153 = arith.constant 0 : i32
      %dma_wait3A_154 = arith.constant 0 : i32
      %dma_wait3A_155 = tpu.memref_slice %arg3[%dma_wait3A_153, %dma_wait3A_154] : memref<50257x1024xf32, #tpu.memory_space<hbm>> -> memref<50257x1024xf32, #tpu.memory_space<hbm>>
      %dma_wait3A_156 = tpu.memref_slice %arg7[%rem3A_145] : memref<4x!tpu.dma_semaphore, #tpu.memory_space<semaphore_mem>> -> memref<1x!tpu.dma_semaphore, #tpu.memory_space<semaphore_mem>>
      %dma_wait3A_157 = tpu.memref_squeeze %dma_wait3A_156 : memref<1x!tpu.dma_semaphore, #tpu.memory_space<semaphore_mem>> -> memref<!tpu.dma_semaphore, #tpu.memory_space<semaphore_mem>>
      tpu.wait_indirect_dma semaphore(%dma_wait3A_157 : memref<!tpu.dma_semaphore, #tpu.memory_space<semaphore_mem>>) src(%dma_wait3A_155 : memref<50257x1024xf32, #tpu.memory_space<hbm>>) dst(%dma_wait3A_151 : memref<16x1024xf32, #tpu.memory_space<vmem>>)
      %mul3A_158 = arith.constant 16 : i32
      %mul3A_159 = arith.muli %scan3A_143, %mul3A_158 : i32
      %add3A_160 = arith.addi %mul3A_2, %mul3A_159 : i32
      %dma_start3A_161 = arith.constant 0 : i32
      %dma_start3A_162 = arith.constant 0 : i32
      %dma_start3A_163 = tpu.memref_slice %arg6[%rem3A_145, %dma_start3A_161, %dma_start3A_162] : memref<4x16x1024xf32, #tpu.memory_space<vmem>> -> memref<1x16x1024xf32, #tpu.memory_space<vmem>>
      %dma_start3A_164 = tpu.memref_squeeze %dma_start3A_163 : memref<1x16x1024xf32, #tpu.memory_space<vmem>> -> memref<16x1024xf32, #tpu.memory_space<vmem>>
      %dma_start3A_165 = arith.constant 0 : i32
      %dma_start3A_166 = tpu.memref_slice %arg4[%add3A_160, %dma_start3A_165] : memref<4096x1024xf32, #tpu.memory_space<hbm>> -> memref<16x1024xf32, #tpu.memory_space<hbm>>
      %dma_start3A_167 = tpu.memref_slice %arg8[%rem3A_145] : memref<4x!tpu.dma_semaphore, #tpu.memory_space<semaphore_mem>> -> memref<1x!tpu.dma_semaphore, #tpu.memory_space<semaphore_mem>>
      %dma_start3A_168 = tpu.memref_squeeze %dma_start3A_167 : memref<1x!tpu.dma_semaphore, #tpu.memory_space<semaphore_mem>> -> memref<!tpu.dma_semaphore, #tpu.memory_space<semaphore_mem>>
      %dma_start3A_169 = arith.constant 0 : i32
      %dma_start3A_170 = tpu.memref_slice %arg4[%add3A_160, %dma_start3A_169] : memref<4096x1024xf32, #tpu.memory_space<hbm>> -> memref<16x1024xf32, #tpu.memory_space<hbm>>
      %dma_start3A_171 = arith.constant 0 : i32
      %dma_start3A_172 = arith.constant 0 : i32
      %dma_start3A_173 = tpu.memref_slice %arg6[%rem3A_145, %dma_start3A_171, %dma_start3A_172] : memref<4x16x1024xf32, #tpu.memory_space<vmem>> -> memref<1x16x1024xf32, #tpu.memory_space<vmem>>
      %dma_start3A_174 = tpu.memref_squeeze %dma_start3A_173 : memref<1x16x1024xf32, #tpu.memory_space<vmem>> -> memref<16x1024xf32, #tpu.memory_space<vmem>>
      tpu.enqueue_dma source(%dma_start3A_174 : memref<16x1024xf32, #tpu.memory_space<vmem>>) target(%dma_start3A_170 : memref<16x1024xf32, #tpu.memory_space<hbm>>) target_semaphore(%dma_start3A_168 : memref<!tpu.dma_semaphore, #tpu.memory_space<semaphore_mem>>)
      %add3A_175 = arith.constant 4 : i32
      %add3A_176 = arith.addi %scan3A_143, %add3A_175 : i32
      %sub3A_177 = arith.constant 1 : i32
      %sub3A_178 = arith.subi %add3A_176, %sub3A_177 : i32
      %lt3A_179 = arith.constant 8 : i32
      %lt3A_180 = arith.cmpi slt, %sub3A_178, %lt3A_179 : i32
      %convert_element_type3A = arith.extui %lt3A_180 : i1 to i32
      %cond3A = arith.constant 0 : i32
      %cond3A_181 = arith.cmpi ne, %convert_element_type3A, %cond3A : i32
      scf.if %cond3A_181 {
        %add3A_182 = arith.constant 4 : i32
        %add3A_183 = arith.addi %scan3A_143, %add3A_182 : i32
        %sub3A_184 = arith.constant 1 : i32
        %sub3A_185 = arith.subi %add3A_183, %sub3A_184 : i32
        %rem3A_186 = arith.constant 4 : i32
        %rem3A_187 = arith.remsi %sub3A_185, %rem3A_186 : i32
        %ge3A = arith.constant 1 : i32
        %ge3A_188 = arith.cmpi sge, %scan3A_143, %ge3A : i32
        %convert_element_type3A_189 = arith.extui %ge3A_188 : i1 to i32
        %cond3A_190 = arith.constant 0 : i32
        %cond3A_191 = arith.cmpi ne, %convert_element_type3A_189, %cond3A_190 : i32
        scf.if %cond3A_191 {
          %dma_wait3A_208 = arith.constant 0 : i32
          %dma_wait3A_209 = arith.constant 0 : i32
          %dma_wait3A_210 = tpu.memref_slice %arg6[%rem3A_187, %dma_wait3A_208, %dma_wait3A_209] : memref<4x16x1024xf32, #tpu.memory_space<vmem>> -> memref<1x16x1024xf32, #tpu.memory_space<vmem>>
          %dma_wait3A_211 = tpu.memref_squeeze %dma_wait3A_210 : memref<1x16x1024xf32, #tpu.memory_space<vmem>> -> memref<16x1024xf32, #tpu.memory_space<vmem>>
          %dma_wait3A_212 = arith.constant 0 : i32
          %dma_wait3A_213 = tpu.memref_slice %arg4[%mul3A_2, %dma_wait3A_212] : memref<4096x1024xf32, #tpu.memory_space<hbm>> -> memref<16x1024xf32, #tpu.memory_space<hbm>>
          %dma_wait3A_214 = tpu.memref_slice %arg8[%rem3A_187] : memref<4x!tpu.dma_semaphore, #tpu.memory_space<semaphore_mem>> -> memref<1x!tpu.dma_semaphore, #tpu.memory_space<semaphore_mem>>
          %dma_wait3A_215 = tpu.memref_squeeze %dma_wait3A_214 : memref<1x!tpu.dma_semaphore, #tpu.memory_space<semaphore_mem>> -> memref<!tpu.dma_semaphore, #tpu.memory_space<semaphore_mem>>
          %dma_wait3A_216 = arith.constant 0 : i32
          %dma_wait3A_217 = tpu.memref_slice %arg4[%mul3A_2, %dma_wait3A_216] : memref<4096x1024xf32, #tpu.memory_space<hbm>> -> memref<16x1024xf32, #tpu.memory_space<hbm>>
          %dma_wait3A_218 = arith.constant 0 : i32
          %dma_wait3A_219 = arith.constant 0 : i32
          %dma_wait3A_220 = tpu.memref_slice %arg6[%rem3A_187, %dma_wait3A_218, %dma_wait3A_219] : memref<4x16x1024xf32, #tpu.memory_space<vmem>> -> memref<1x16x1024xf32, #tpu.memory_space<vmem>>
          %dma_wait3A_221 = tpu.memref_squeeze %dma_wait3A_220 : memref<1x16x1024xf32, #tpu.memory_space<vmem>> -> memref<16x1024xf32, #tpu.memory_space<vmem>>
          tpu.wait_dma2 semaphore(%dma_wait3A_215 : memref<!tpu.dma_semaphore, #tpu.memory_space<semaphore_mem>>) src(%dma_wait3A_221 : memref<16x1024xf32, #tpu.memory_space<vmem>>) dst(%dma_wait3A_217 : memref<16x1024xf32, #tpu.memory_space<hbm>>)
        } else {
        }
        %add3A_192 = arith.constant 4 : i32
        %add3A_193 = arith.addi %scan3A_143, %add3A_192 : i32
        %sub3A_194 = arith.constant 1 : i32
        %sub3A_195 = arith.subi %add3A_193, %sub3A_194 : i32
        %mul3A_196 = arith.constant 16 : i32
        %mul3A_197 = arith.muli %sub3A_195, %mul3A_196 : i32
        %dma_start3A_198 = arith.constant 0 : i32
        %dma_start3A_199 = arith.constant 0 : i32
        %dma_start3A_200 = tpu.memref_slice %arg6[%rem3A_187, %dma_start3A_198, %dma_start3A_199] : memref<4x16x1024xf32, #tpu.memory_space<vmem>> -> memref<1x16x1024xf32, #tpu.memory_space<vmem>>
        %dma_start3A_201 = tpu.memref_squeeze %dma_start3A_200 : memref<1x16x1024xf32, #tpu.memory_space<vmem>> -> memref<16x1024xf32, #tpu.memory_space<vmem>>
        %dma_start3A_202 = tpu.memref_slice %arg5[%mul3A_197] : memref<128xi32, #tpu.memory_space<vmem>> -> memref<16xi32, #tpu.memory_space<vmem>>
        %dma_start3A_203 = arith.constant 0 : i32
        %dma_start3A_204 = arith.constant 0 : i32
        %dma_start3A_205 = tpu.memref_slice %arg3[%dma_start3A_203, %dma_start3A_204] : memref<50257x1024xf32, #tpu.memory_space<hbm>> -> memref<50257x1024xf32, #tpu.memory_space<hbm>>
        %dma_start3A_206 = tpu.memref_slice %arg7[%rem3A_187] : memref<4x!tpu.dma_semaphore, #tpu.memory_space<semaphore_mem>> -> memref<1x!tpu.dma_semaphore, #tpu.memory_space<semaphore_mem>>
        %dma_start3A_207 = tpu.memref_squeeze %dma_start3A_206 : memref<1x!tpu.dma_semaphore, #tpu.memory_space<semaphore_mem>> -> memref<!tpu.dma_semaphore, #tpu.memory_space<semaphore_mem>>
        tpu.enqueue_indirect_dma source(%dma_start3A_205 : memref<50257x1024xf32, #tpu.memory_space<hbm>>) target(%dma_start3A_201 : memref<16x1024xf32, #tpu.memory_space<vmem>>) offsets(%dma_start3A_202 : memref<16xi32, #tpu.memory_space<vmem>>) semaphore(%dma_start3A_207 : memref<!tpu.dma_semaphore, #tpu.memory_space<semaphore_mem>>)
      } else {
      }
    }
    %scan3A_79 = arith.constant 8 : i32
    %dma_wait3A = arith.constant 0 : i32
    %dma_wait3A_80 = arith.constant 0 : i32
    %dma_wait3A_81 = arith.constant 0 : i32
    %dma_wait3A_82 = arith.constant 0 : i32
    %dma_wait3A_83 = tpu.memref_slice %arg6[%dma_wait3A, %dma_wait3A_81, %dma_wait3A_82] : memref<4x16x1024xf32, #tpu.memory_space<vmem>> -> memref<1x16x1024xf32, #tpu.memory_space<vmem>>
    %dma_wait3A_84 = tpu.memref_squeeze %dma_wait3A_83 : memref<1x16x1024xf32, #tpu.memory_space<vmem>> -> memref<16x1024xf32, #tpu.memory_space<vmem>>
    %dma_wait3A_85 = arith.constant 0 : i32
    %dma_wait3A_86 = tpu.memref_slice %arg4[%mul3A_2, %dma_wait3A_85] : memref<4096x1024xf32, #tpu.memory_space<hbm>> -> memref<16x1024xf32, #tpu.memory_space<hbm>>
    %dma_wait3A_87 = tpu.memref_slice %arg8[%dma_wait3A_80] : memref<4x!tpu.dma_semaphore, #tpu.memory_space<semaphore_mem>> -> memref<1x!tpu.dma_semaphore, #tpu.memory_space<semaphore_mem>>
    %dma_wait3A_88 = tpu.memref_squeeze %dma_wait3A_87 : memref<1x!tpu.dma_semaphore, #tpu.memory_space<semaphore_mem>> -> memref<!tpu.dma_semaphore, #tpu.memory_space<semaphore_mem>>
    %dma_wait3A_89 = arith.constant 0 : i32
    %dma_wait3A_90 = tpu.memref_slice %arg4[%mul3A_2, %dma_wait3A_89] : memref<4096x1024xf32, #tpu.memory_space<hbm>> -> memref<16x1024xf32, #tpu.memory_space<hbm>>
    %dma_wait3A_91 = arith.constant 0 : i32
    %dma_wait3A_92 = arith.constant 0 : i32
    %dma_wait3A_93 = tpu.memref_slice %arg6[%dma_wait3A, %dma_wait3A_91, %dma_wait3A_92] : memref<4x16x1024xf32, #tpu.memory_space<vmem>> -> memref<1x16x1024xf32, #tpu.memory_space<vmem>>
    %dma_wait3A_94 = tpu.memref_squeeze %dma_wait3A_93 : memref<1x16x1024xf32, #tpu.memory_space<vmem>> -> memref<16x1024xf32, #tpu.memory_space<vmem>>
    tpu.wait_dma2 semaphore(%dma_wait3A_88 : memref<!tpu.dma_semaphore, #tpu.memory_space<semaphore_mem>>) src(%dma_wait3A_94 : memref<16x1024xf32, #tpu.memory_space<vmem>>) dst(%dma_wait3A_90 : memref<16x1024xf32, #tpu.memory_space<hbm>>)
    %dma_wait3A_95 = arith.constant 1 : i32
    %dma_wait3A_96 = arith.constant 1 : i32
    %dma_wait3A_97 = arith.constant 0 : i32
    %dma_wait3A_98 = arith.constant 0 : i32
    %dma_wait3A_99 = tpu.memref_slice %arg6[%dma_wait3A_95, %dma_wait3A_97, %dma_wait3A_98] : memref<4x16x1024xf32, #tpu.memory_space<vmem>> -> memref<1x16x1024xf32, #tpu.memory_space<vmem>>
    %dma_wait3A_100 = tpu.memref_squeeze %dma_wait3A_99 : memref<1x16x1024xf32, #tpu.memory_space<vmem>> -> memref<16x1024xf32, #tpu.memory_space<vmem>>
    %dma_wait3A_101 = arith.constant 0 : i32
    %dma_wait3A_102 = tpu.memref_slice %arg4[%mul3A_2, %dma_wait3A_101] : memref<4096x1024xf32, #tpu.memory_space<hbm>> -> memref<16x1024xf32, #tpu.memory_space<hbm>>
    %dma_wait3A_103 = tpu.memref_slice %arg8[%dma_wait3A_96] : memref<4x!tpu.dma_semaphore, #tpu.memory_space<semaphore_mem>> -> memref<1x!tpu.dma_semaphore, #tpu.memory_space<semaphore_mem>>
    %dma_wait3A_104 = tpu.memref_squeeze %dma_wait3A_103 : memref<1x!tpu.dma_semaphore, #tpu.memory_space<semaphore_mem>> -> memref<!tpu.dma_semaphore, #tpu.memory_space<semaphore_mem>>
    %dma_wait3A_105 = arith.constant 0 : i32
    %dma_wait3A_106 = tpu.memref_slice %arg4[%mul3A_2, %dma_wait3A_105] : memref<4096x1024xf32, #tpu.memory_space<hbm>> -> memref<16x1024xf32, #tpu.memory_space<hbm>>
    %dma_wait3A_107 = arith.constant 0 : i32
    %dma_wait3A_108 = arith.constant 0 : i32
    %dma_wait3A_109 = tpu.memref_slice %arg6[%dma_wait3A_95, %dma_wait3A_107, %dma_wait3A_108] : memref<4x16x1024xf32, #tpu.memory_space<vmem>> -> memref<1x16x1024xf32, #tpu.memory_space<vmem>>
    %dma_wait3A_110 = tpu.memref_squeeze %dma_wait3A_109 : memref<1x16x1024xf32, #tpu.memory_space<vmem>> -> memref<16x1024xf32, #tpu.memory_space<vmem>>
    tpu.wait_dma2 semaphore(%dma_wait3A_104 : memref<!tpu.dma_semaphore, #tpu.memory_space<semaphore_mem>>) src(%dma_wait3A_110 : memref<16x1024xf32, #tpu.memory_space<vmem>>) dst(%dma_wait3A_106 : memref<16x1024xf32, #tpu.memory_space<hbm>>)
    %dma_wait3A_111 = arith.constant 2 : i32
    %dma_wait3A_112 = arith.constant 2 : i32
    %dma_wait3A_113 = arith.constant 0 : i32
    %dma_wait3A_114 = arith.constant 0 : i32
    %dma_wait3A_115 = tpu.memref_slice %arg6[%dma_wait3A_111, %dma_wait3A_113, %dma_wait3A_114] : memref<4x16x1024xf32, #tpu.memory_space<vmem>> -> memref<1x16x1024xf32, #tpu.memory_space<vmem>>
    %dma_wait3A_116 = tpu.memref_squeeze %dma_wait3A_115 : memref<1x16x1024xf32, #tpu.memory_space<vmem>> -> memref<16x1024xf32, #tpu.memory_space<vmem>>
    %dma_wait3A_117 = arith.constant 0 : i32
    %dma_wait3A_118 = tpu.memref_slice %arg4[%mul3A_2, %dma_wait3A_117] : memref<4096x1024xf32, #tpu.memory_space<hbm>> -> memref<16x1024xf32, #tpu.memory_space<hbm>>
    %dma_wait3A_119 = tpu.memref_slice %arg8[%dma_wait3A_112] : memref<4x!tpu.dma_semaphore, #tpu.memory_space<semaphore_mem>> -> memref<1x!tpu.dma_semaphore, #tpu.memory_space<semaphore_mem>>
    %dma_wait3A_120 = tpu.memref_squeeze %dma_wait3A_119 : memref<1x!tpu.dma_semaphore, #tpu.memory_space<semaphore_mem>> -> memref<!tpu.dma_semaphore, #tpu.memory_space<semaphore_mem>>
    %dma_wait3A_121 = arith.constant 0 : i32
    %dma_wait3A_122 = tpu.memref_slice %arg4[%mul3A_2, %dma_wait3A_121] : memref<4096x1024xf32, #tpu.memory_space<hbm>> -> memref<16x1024xf32, #tpu.memory_space<hbm>>
    %dma_wait3A_123 = arith.constant 0 : i32
    %dma_wait3A_124 = arith.constant 0 : i32
    %dma_wait3A_125 = tpu.memref_slice %arg6[%dma_wait3A_111, %dma_wait3A_123, %dma_wait3A_124] : memref<4x16x1024xf32, #tpu.memory_space<vmem>> -> memref<1x16x1024xf32, #tpu.memory_space<vmem>>
    %dma_wait3A_126 = tpu.memref_squeeze %dma_wait3A_125 : memref<1x16x1024xf32, #tpu.memory_space<vmem>> -> memref<16x1024xf32, #tpu.memory_space<vmem>>
    tpu.wait_dma2 semaphore(%dma_wait3A_120 : memref<!tpu.dma_semaphore, #tpu.memory_space<semaphore_mem>>) src(%dma_wait3A_126 : memref<16x1024xf32, #tpu.memory_space<vmem>>) dst(%dma_wait3A_122 : memref<16x1024xf32, #tpu.memory_space<hbm>>)
    %dma_wait3A_127 = arith.constant 3 : i32
    %dma_wait3A_128 = arith.constant 3 : i32
    %dma_wait3A_129 = arith.constant 0 : i32
    %dma_wait3A_130 = arith.constant 0 : i32
    %dma_wait3A_131 = tpu.memref_slice %arg6[%dma_wait3A_127, %dma_wait3A_129, %dma_wait3A_130] : memref<4x16x1024xf32, #tpu.memory_space<vmem>> -> memref<1x16x1024xf32, #tpu.memory_space<vmem>>
    %dma_wait3A_132 = tpu.memref_squeeze %dma_wait3A_131 : memref<1x16x1024xf32, #tpu.memory_space<vmem>> -> memref<16x1024xf32, #tpu.memory_space<vmem>>
    %dma_wait3A_133 = arith.constant 0 : i32
    %dma_wait3A_134 = tpu.memref_slice %arg4[%mul3A_2, %dma_wait3A_133] : memref<4096x1024xf32, #tpu.memory_space<hbm>> -> memref<16x1024xf32, #tpu.memory_space<hbm>>
    %dma_wait3A_135 = tpu.memref_slice %arg8[%dma_wait3A_128] : memref<4x!tpu.dma_semaphore, #tpu.memory_space<semaphore_mem>> -> memref<1x!tpu.dma_semaphore, #tpu.memory_space<semaphore_mem>>
    %dma_wait3A_136 = tpu.memref_squeeze %dma_wait3A_135 : memref<1x!tpu.dma_semaphore, #tpu.memory_space<semaphore_mem>> -> memref<!tpu.dma_semaphore, #tpu.memory_space<semaphore_mem>>
    %dma_wait3A_137 = arith.constant 0 : i32
    %dma_wait3A_138 = tpu.memref_slice %arg4[%mul3A_2, %dma_wait3A_137] : memref<4096x1024xf32, #tpu.memory_space<hbm>> -> memref<16x1024xf32, #tpu.memory_space<hbm>>
    %dma_wait3A_139 = arith.constant 0 : i32
    %dma_wait3A_140 = arith.constant 0 : i32
    %dma_wait3A_141 = tpu.memref_slice %arg6[%dma_wait3A_127, %dma_wait3A_139, %dma_wait3A_140] : memref<4x16x1024xf32, #tpu.memory_space<vmem>> -> memref<1x16x1024xf32, #tpu.memory_space<vmem>>
    %dma_wait3A_142 = tpu.memref_squeeze %dma_wait3A_141 : memref<1x16x1024xf32, #tpu.memory_space<vmem>> -> memref<16x1024xf32, #tpu.memory_space<vmem>>
    tpu.wait_dma2 semaphore(%dma_wait3A_136 : memref<!tpu.dma_semaphore, #tpu.memory_space<semaphore_mem>>) src(%dma_wait3A_142 : memref<16x1024xf32, #tpu.memory_space<vmem>>) dst(%dma_wait3A_138 : memref<16x1024xf32, #tpu.memory_space<hbm>>)
    return
  }
}

#map = affine_map<(d0, d1) -> (0, 0)>
module attributes {stable_mosaic.version = 14 : i64} {
  func.func @gather_kernel(%arg0: i32, %arg1: i32, %arg2: memref<4x2048xi32, #tpu.memory_space<hbm>>, %arg3: memref<50257x1024xf32, #tpu.memory_space<hbm>>, %arg4: memref<4096x1024xf32, #tpu.memory_space<hbm>>, %arg5: memref<128xi32, #tpu.memory_space<vmem>>, %arg6: memref<4x16x1024xf32, #tpu.memory_space<vmem>>, %arg7: memref<4x!tpu.dma_semaphore, #tpu.memory_space<semaphore_mem>>, %arg8: memref<4x!tpu.dma_semaphore, #tpu.memory_space<semaphore_mem>>) attributes {dimension_semantics = [#tpu.dimension_semantics<core_parallel>, #tpu.dimension_semantics<subcore_parallel>], iteration_bounds = array<i64: 2, 16>, scalar_prefetch = 0 : i64, scratch_operands = 4 : i64, tpu.core_type = #tpu.core_type<sc_vector_subcore>, window_params = [{transform_indices = #map}, {transform_indices = #map}, {transform_indices = #map}]} {
    %mul3A = arith.constant 2 : i32
    %mul3A_0 = arith.muli %arg1, %mul3A : i32
    %add3A = arith.addi %mul3A_0, %arg0 : i32
    %mul3A_1 = arith.constant 128 : i32
    %mul3A_2 = arith.muli %add3A, %mul3A_1 : i32
    %jit3A = arith.constant 8 : i32
    %div3A = arith.divsi %add3A, %jit3A : i32
    %sign3A = arith.constant 0 : i32
    %sign3A_3 = arith.cmpi sgt, %add3A, %sign3A : i32
    %sign3A_4 = arith.extui %sign3A_3 : i1 to i32
    %sign3A_5 = arith.constant 0 : i32
    %sign3A_6 = arith.cmpi slt, %add3A, %sign3A_5 : i32
    %sign3A_7 = arith.extui %sign3A_6 : i1 to i32
    %sign3A_8 = arith.subi %sign3A_4, %sign3A_7 : i32
    %sign3A_9 = arith.constant 0 : i32
    %sign3A_10 = arith.cmpi sgt, %jit3A, %sign3A_9 : i32
    %sign3A_11 = arith.extui %sign3A_10 : i1 to i32
    %sign3A_12 = arith.constant 0 : i32
    %sign3A_13 = arith.cmpi slt, %jit3A, %sign3A_12 : i32
    %sign3A_14 = arith.extui %sign3A_13 : i1 to i32
    %sign3A_15 = arith.subi %sign3A_11, %sign3A_14 : i32
    %ne3A = arith.cmpi ne, %sign3A_8, %sign3A_15 : i32
    %rem3A = arith.remsi %add3A, %jit3A : i32
    %ne3A_16 = arith.constant 0 : i32
    %ne3A_17 = arith.cmpi ne, %rem3A, %ne3A_16 : i32
    %and3A = arith.andi %ne3A, %ne3A_17 : i1
    %sub3A = arith.constant 1 : i32
    %sub3A_18 = arith.subi %div3A, %sub3A : i32
    %select_n3A = arith.select %and3A, %sub3A_18, %div3A : i32
    %jit3A_19 = arith.constant 8 : i32
    %eq3A = arith.constant 0 : i32
    %eq3A_20 = arith.cmpi eq, %jit3A_19, %eq3A : i32
    %jit3A_21 = arith.constant 1 : i32
    %select_n3A_22 = arith.select %eq3A_20, %jit3A_21, %jit3A_19 : i32
    %rem3A_23 = arith.remsi %add3A, %select_n3A_22 : i32
    %ne3A_24 = arith.constant 0 : i32
    %ne3A_25 = arith.cmpi ne, %rem3A_23, %ne3A_24 : i32
    %lt3A = arith.constant 0 : i32
    %lt3A_26 = arith.cmpi slt, %rem3A_23, %lt3A : i32
    %lt3A_27 = arith.constant 0 : i32
    %lt3A_28 = arith.cmpi slt, %select_n3A_22, %lt3A_27 : i32
    %ne3A_29 = arith.xori %lt3A_26, %lt3A_28 : i1
    %and3A_30 = arith.andi %ne3A_29, %ne3A_25 : i1
    %add3A_31 = arith.addi %rem3A_23, %select_n3A_22 : i32
    %select_n3A_32 = arith.select %and3A_30, %add3A_31, %rem3A_23 : i32
    %mul3A_33 = arith.constant 128 : i32
    %mul3A_34 = arith.muli %select_n3A_32, %mul3A_33 : i32
    %add3A_35 = arith.constant 1024 : i32
    %add3A_36 = arith.addi %add3A_35, %mul3A_34 : i32
    "tpu.region"() ({
      %run_scoped3A = tpu.sem_alloc : memref<!tpu.dma_semaphore, #tpu.memory_space<semaphore_mem>>
      %dma_start3A_143 = tpu.memref_slice %arg2[%select_n3A, %add3A_36] : memref<4x2048xi32, #tpu.memory_space<hbm>> -> memref<1x128xi32, #tpu.memory_space<hbm>>
      %dma_start3A_144 = tpu.memref_squeeze %dma_start3A_143 : memref<1x128xi32, #tpu.memory_space<hbm>> -> memref<128xi32, #tpu.memory_space<hbm>>
      %dma_start3A_145 = tpu.memref_slice %arg2[%select_n3A, %add3A_36] : memref<4x2048xi32, #tpu.memory_space<hbm>> -> memref<1x128xi32, #tpu.memory_space<hbm>>
      %dma_start3A_146 = tpu.memref_squeeze %dma_start3A_145 : memref<1x128xi32, #tpu.memory_space<hbm>> -> memref<128xi32, #tpu.memory_space<hbm>>
      tpu.enqueue_dma source(%dma_start3A_146 : memref<128xi32, #tpu.memory_space<hbm>>) target(%arg5 : memref<128xi32, #tpu.memory_space<vmem>>) target_semaphore(%run_scoped3A : memref<!tpu.dma_semaphore, #tpu.memory_space<semaphore_mem>>)
      %dma_wait3A_147 = tpu.memref_slice %arg2[%select_n3A, %add3A_36] : memref<4x2048xi32, #tpu.memory_space<hbm>> -> memref<1x128xi32, #tpu.memory_space<hbm>>
      %dma_wait3A_148 = tpu.memref_squeeze %dma_wait3A_147 : memref<1x128xi32, #tpu.memory_space<hbm>> -> memref<128xi32, #tpu.memory_space<hbm>>
      %dma_wait3A_149 = tpu.memref_slice %arg2[%select_n3A, %add3A_36] : memref<4x2048xi32, #tpu.memory_space<hbm>> -> memref<1x128xi32, #tpu.memory_space<hbm>>
      %dma_wait3A_150 = tpu.memref_squeeze %dma_wait3A_149 : memref<1x128xi32, #tpu.memory_space<hbm>> -> memref<128xi32, #tpu.memory_space<hbm>>
      tpu.wait_dma2 semaphore(%run_scoped3A : memref<!tpu.dma_semaphore, #tpu.memory_space<semaphore_mem>>) src(%dma_wait3A_150 : memref<128xi32, #tpu.memory_space<hbm>>) dst(%arg5 : memref<128xi32, #tpu.memory_space<vmem>>)
      tpu.yield
    }) : () -> ()
    %dma_start3A = arith.constant 0 : i32
    %dma_start3A_37 = arith.constant 0 : i32
    %dma_start3A_38 = arith.constant 0 : i32
    %dma_start3A_39 = arith.constant 0 : i32
    %dma_start3A_40 = tpu.memref_slice %arg6[%dma_start3A, %dma_start3A_38, %dma_start3A_39] : memref<4x16x1024xf32, #tpu.memory_space<vmem>> -> memref<1x16x1024xf32, #tpu.memory_space<vmem>>
    %dma_start3A_41 = tpu.memref_squeeze %dma_start3A_40 : memref<1x16x1024xf32, #tpu.memory_space<vmem>> -> memref<16x1024xf32, #tpu.memory_space<vmem>>
    %dma_start3A_42 = arith.constant 0 : i32
    %dma_start3A_43 = tpu.memref_slice %arg5[%dma_start3A_42] : memref<128xi32, #tpu.memory_space<vmem>> -> memref<16xi32, #tpu.memory_space<vmem>>
    %dma_start3A_44 = arith.constant 0 : i32
    %dma_start3A_45 = arith.constant 0 : i32
    %dma_start3A_46 = tpu.memref_slice %arg3[%dma_start3A_44, %dma_start3A_45] : memref<50257x1024xf32, #tpu.memory_space<hbm>> -> memref<50257x1024xf32, #tpu.memory_space<hbm>>
    %dma_start3A_47 = tpu.memref_slice %arg7[%dma_start3A_37] : memref<4x!tpu.dma_semaphore, #tpu.memory_space<semaphore_mem>> -> memref<1x!tpu.dma_semaphore, #tpu.memory_space<semaphore_mem>>
    %dma_start3A_48 = tpu.memref_squeeze %dma_start3A_47 : memref<1x!tpu.dma_semaphore, #tpu.memory_space<semaphore_mem>> -> memref<!tpu.dma_semaphore, #tpu.memory_space<semaphore_mem>>
    tpu.enqueue_indirect_dma source(%dma_start3A_46 : memref<50257x1024xf32, #tpu.memory_space<hbm>>) target(%dma_start3A_41 : memref<16x1024xf32, #tpu.memory_space<vmem>>) offsets(%dma_start3A_43 : memref<16xi32, #tpu.memory_space<vmem>>) semaphore(%dma_start3A_48 : memref<!tpu.dma_semaphore, #tpu.memory_space<semaphore_mem>>)
    %dma_start3A_49 = arith.constant 1 : i32
    %dma_start3A_50 = arith.constant 1 : i32
    %dma_start3A_51 = arith.constant 0 : i32
    %dma_start3A_52 = arith.constant 0 : i32
    %dma_start3A_53 = tpu.memref_slice %arg6[%dma_start3A_49, %dma_start3A_51, %dma_start3A_52] : memref<4x16x1024xf32, #tpu.memory_space<vmem>> -> memref<1x16x1024xf32, #tpu.memory_space<vmem>>
    %dma_start3A_54 = tpu.memref_squeeze %dma_start3A_53 : memref<1x16x1024xf32, #tpu.memory_space<vmem>> -> memref<16x1024xf32, #tpu.memory_space<vmem>>
    %dma_start3A_55 = arith.constant 16 : i32
    %dma_start3A_56 = tpu.memref_slice %arg5[%dma_start3A_55] : memref<128xi32, #tpu.memory_space<vmem>> -> memref<16xi32, #tpu.memory_space<vmem>>
    %dma_start3A_57 = arith.constant 0 : i32
    %dma_start3A_58 = arith.constant 0 : i32
    %dma_start3A_59 = tpu.memref_slice %arg3[%dma_start3A_57, %dma_start3A_58] : memref<50257x1024xf32, #tpu.memory_space<hbm>> -> memref<50257x1024xf32, #tpu.memory_space<hbm>>
    %dma_start3A_60 = tpu.memref_slice %arg7[%dma_start3A_50] : memref<4x!tpu.dma_semaphore, #tpu.memory_space<semaphore_mem>> -> memref<1x!tpu.dma_semaphore, #tpu.memory_space<semaphore_mem>>
    %dma_start3A_61 = tpu.memref_squeeze %dma_start3A_60 : memref<1x!tpu.dma_semaphore, #tpu.memory_space<semaphore_mem>> -> memref<!tpu.dma_semaphore, #tpu.memory_space<semaphore_mem>>
    tpu.enqueue_indirect_dma source(%dma_start3A_59 : memref<50257x1024xf32, #tpu.memory_space<hbm>>) target(%dma_start3A_54 : memref<16x1024xf32, #tpu.memory_space<vmem>>) offsets(%dma_start3A_56 : memref<16xi32, #tpu.memory_space<vmem>>) semaphore(%dma_start3A_61 : memref<!tpu.dma_semaphore, #tpu.memory_space<semaphore_mem>>)
    %dma_start3A_62 = arith.constant 2 : i32
    %dma_start3A_63 = arith.constant 2 : i32
    %dma_start3A_64 = arith.constant 0 : i32
    %dma_start3A_65 = arith.constant 0 : i32
    %dma_start3A_66 = tpu.memref_slice %arg6[%dma_start3A_62, %dma_start3A_64, %dma_start3A_65] : memref<4x16x1024xf32, #tpu.memory_space<vmem>> -> memref<1x16x1024xf32, #tpu.memory_space<vmem>>
    %dma_start3A_67 = tpu.memref_squeeze %dma_start3A_66 : memref<1x16x1024xf32, #tpu.memory_space<vmem>> -> memref<16x1024xf32, #tpu.memory_space<vmem>>
    %dma_start3A_68 = arith.constant 32 : i32
    %dma_start3A_69 = tpu.memref_slice %arg5[%dma_start3A_68] : memref<128xi32, #tpu.memory_space<vmem>> -> memref<16xi32, #tpu.memory_space<vmem>>
    %dma_start3A_70 = arith.constant 0 : i32
    %dma_start3A_71 = arith.constant 0 : i32
    %dma_start3A_72 = tpu.memref_slice %arg3[%dma_start3A_70, %dma_start3A_71] : memref<50257x1024xf32, #tpu.memory_space<hbm>> -> memref<50257x1024xf32, #tpu.memory_space<hbm>>
    %dma_start3A_73 = tpu.memref_slice %arg7[%dma_start3A_63] : memref<4x!tpu.dma_semaphore, #tpu.memory_space<semaphore_mem>> -> memref<1x!tpu.dma_semaphore, #tpu.memory_space<semaphore_mem>>
    %dma_start3A_74 = tpu.memref_squeeze %dma_start3A_73 : memref<1x!tpu.dma_semaphore, #tpu.memory_space<semaphore_mem>> -> memref<!tpu.dma_semaphore, #tpu.memory_space<semaphore_mem>>
    tpu.enqueue_indirect_dma source(%dma_start3A_72 : memref<50257x1024xf32, #tpu.memory_space<hbm>>) target(%dma_start3A_67 : memref<16x1024xf32, #tpu.memory_space<vmem>>) offsets(%dma_start3A_69 : memref<16xi32, #tpu.memory_space<vmem>>) semaphore(%dma_start3A_74 : memref<!tpu.dma_semaphore, #tpu.memory_space<semaphore_mem>>)
    %scan3A = arith.constant 0 : i32
    %scan3A_75 = arith.constant 0 : i32
    %scan3A_76 = arith.constant 8 : i32
    %scan3A_77 = arith.addi %scan3A_75, %scan3A_76 : i32
    %scan3A_78 = arith.constant 1 : i32
    scf.for %scan3A_143 = %scan3A_75 to %scan3A_77 step %scan3A_78  : i32 {
      %rem3A_144 = arith.constant 4 : i32
      %rem3A_145 = arith.remsi %scan3A_143, %rem3A_144 : i32
      %mul3A_146 = arith.constant 16 : i32
      %mul3A_147 = arith.muli %scan3A_143, %mul3A_146 : i32
      %dma_wait3A_148 = arith.constant 0 : i32
      %dma_wait3A_149 = arith.constant 0 : i32
      %dma_wait3A_150 = tpu.memref_slice %arg6[%rem3A_145, %dma_wait3A_148, %dma_wait3A_149] : memref<4x16x1024xf32, #tpu.memory_space<vmem>> -> memref<1x16x1024xf32, #tpu.memory_space<vmem>>
      %dma_wait3A_151 = tpu.memref_squeeze %dma_wait3A_150 : memref<1x16x1024xf32, #tpu.memory_space<vmem>> -> memref<16x1024xf32, #tpu.memory_space<vmem>>
      %dma_wait3A_152 = tpu.memref_slice %arg5[%mul3A_147] : memref<128xi32, #tpu.memory_space<vmem>> -> memref<16xi32, #tpu.memory_space<vmem>>
      %dma_wait3A_153 = arith.constant 0 : i32
      %dma_wait3A_154 = arith.constant 0 : i32
      %dma_wait3A_155 = tpu.memref_slice %arg3[%dma_wait3A_153, %dma_wait3A_154] : memref<50257x1024xf32, #tpu.memory_space<hbm>> -> memref<50257x1024xf32, #tpu.memory_space<hbm>>
      %dma_wait3A_156 = tpu.memref_slice %arg7[%rem3A_145] : memref<4x!tpu.dma_semaphore, #tpu.memory_space<semaphore_mem>> -> memref<1x!tpu.dma_semaphore, #tpu.memory_space<semaphore_mem>>
      %dma_wait3A_157 = tpu.memref_squeeze %dma_wait3A_156 : memref<1x!tpu.dma_semaphore, #tpu.memory_space<semaphore_mem>> -> memref<!tpu.dma_semaphore, #tpu.memory_space<semaphore_mem>>
      tpu.wait_indirect_dma semaphore(%dma_wait3A_157 : memref<!tpu.dma_semaphore, #tpu.memory_space<semaphore_mem>>) src(%dma_wait3A_155 : memref<50257x1024xf32, #tpu.memory_space<hbm>>) dst(%dma_wait3A_151 : memref<16x1024xf32, #tpu.memory_space<vmem>>)
      %mul3A_158 = arith.constant 16 : i32
      %mul3A_159 = arith.muli %scan3A_143, %mul3A_158 : i32
      %add3A_160 = arith.addi %mul3A_2, %mul3A_159 : i32
      %dma_start3A_161 = arith.constant 0 : i32
      %dma_start3A_162 = arith.constant 0 : i32
      %dma_start3A_163 = tpu.memref_slice %arg6[%rem3A_145, %dma_start3A_161, %dma_start3A_162] : memref<4x16x1024xf32, #tpu.memory_space<vmem>> -> memref<1x16x1024xf32, #tpu.memory_space<vmem>>
      %dma_start3A_164 = tpu.memref_squeeze %dma_start3A_163 : memref<1x16x1024xf32, #tpu.memory_space<vmem>> -> memref<16x1024xf32, #tpu.memory_space<vmem>>
      %dma_start3A_165 = arith.constant 0 : i32
      %dma_start3A_166 = tpu.memref_slice %arg4[%add3A_160, %dma_start3A_165] : memref<4096x1024xf32, #tpu.memory_space<hbm>> -> memref<16x1024xf32, #tpu.memory_space<hbm>>
      %dma_start3A_167 = tpu.memref_slice %arg8[%rem3A_145] : memref<4x!tpu.dma_semaphore, #tpu.memory_space<semaphore_mem>> -> memref<1x!tpu.dma_semaphore, #tpu.memory_space<semaphore_mem>>
      %dma_start3A_168 = tpu.memref_squeeze %dma_start3A_167 : memref<1x!tpu.dma_semaphore, #tpu.memory_space<semaphore_mem>> -> memref<!tpu.dma_semaphore, #tpu.memory_space<semaphore_mem>>
      %dma_start3A_169 = arith.constant 0 : i32
      %dma_start3A_170 = tpu.memref_slice %arg4[%add3A_160, %dma_start3A_169] : memref<4096x1024xf32, #tpu.memory_space<hbm>> -> memref<16x1024xf32, #tpu.memory_space<hbm>>
      %dma_start3A_171 = arith.constant 0 : i32
      %dma_start3A_172 = arith.constant 0 : i32
      %dma_start3A_173 = tpu.memref_slice %arg6[%rem3A_145, %dma_start3A_171, %dma_start3A_172] : memref<4x16x1024xf32, #tpu.memory_space<vmem>> -> memref<1x16x1024xf32, #tpu.memory_space<vmem>>
      %dma_start3A_174 = tpu.memref_squeeze %dma_start3A_173 : memref<1x16x1024xf32, #tpu.memory_space<vmem>> -> memref<16x1024xf32, #tpu.memory_space<vmem>>
      tpu.enqueue_dma source(%dma_start3A_174 : memref<16x1024xf32, #tpu.memory_space<vmem>>) target(%dma_start3A_170 : memref<16x1024xf32, #tpu.memory_space<hbm>>) target_semaphore(%dma_start3A_168 : memref<!tpu.dma_semaphore, #tpu.memory_space<semaphore_mem>>)
      %add3A_175 = arith.constant 4 : i32
      %add3A_176 = arith.addi %scan3A_143, %add3A_175 : i32
      %sub3A_177 = arith.constant 1 : i32
      %sub3A_178 = arith.subi %add3A_176, %sub3A_177 : i32
      %lt3A_179 = arith.constant 8 : i32
      %lt3A_180 = arith.cmpi slt, %sub3A_178, %lt3A_179 : i32
      %convert_element_type3A = arith.extui %lt3A_180 : i1 to i32
      %cond3A = arith.constant 0 : i32
      %cond3A_181 = arith.cmpi ne, %convert_element_type3A, %cond3A : i32
      scf.if %cond3A_181 {
        %add3A_182 = arith.constant 4 : i32
        %add3A_183 = arith.addi %scan3A_143, %add3A_182 : i32
        %sub3A_184 = arith.constant 1 : i32
        %sub3A_185 = arith.subi %add3A_183, %sub3A_184 : i32
        %rem3A_186 = arith.constant 4 : i32
        %rem3A_187 = arith.remsi %sub3A_185, %rem3A_186 : i32
        %ge3A = arith.constant 1 : i32
        %ge3A_188 = arith.cmpi sge, %scan3A_143, %ge3A : i32
        %convert_element_type3A_189 = arith.extui %ge3A_188 : i1 to i32
        %cond3A_190 = arith.constant 0 : i32
        %cond3A_191 = arith.cmpi ne, %convert_element_type3A_189, %cond3A_190 : i32
        scf.if %cond3A_191 {
          %dma_wait3A_208 = arith.constant 0 : i32
          %dma_wait3A_209 = arith.constant 0 : i32
          %dma_wait3A_210 = tpu.memref_slice %arg6[%rem3A_187, %dma_wait3A_208, %dma_wait3A_209] : memref<4x16x1024xf32, #tpu.memory_space<vmem>> -> memref<1x16x1024xf32, #tpu.memory_space<vmem>>
          %dma_wait3A_211 = tpu.memref_squeeze %dma_wait3A_210 : memref<1x16x1024xf32, #tpu.memory_space<vmem>> -> memref<16x1024xf32, #tpu.memory_space<vmem>>
          %dma_wait3A_212 = arith.constant 0 : i32
          %dma_wait3A_213 = tpu.memref_slice %arg4[%mul3A_2, %dma_wait3A_212] : memref<4096x1024xf32, #tpu.memory_space<hbm>> -> memref<16x1024xf32, #tpu.memory_space<hbm>>
          %dma_wait3A_214 = tpu.memref_slice %arg8[%rem3A_187] : memref<4x!tpu.dma_semaphore, #tpu.memory_space<semaphore_mem>> -> memref<1x!tpu.dma_semaphore, #tpu.memory_space<semaphore_mem>>
          %dma_wait3A_215 = tpu.memref_squeeze %dma_wait3A_214 : memref<1x!tpu.dma_semaphore, #tpu.memory_space<semaphore_mem>> -> memref<!tpu.dma_semaphore, #tpu.memory_space<semaphore_mem>>
          %dma_wait3A_216 = arith.constant 0 : i32
          %dma_wait3A_217 = tpu.memref_slice %arg4[%mul3A_2, %dma_wait3A_216] : memref<4096x1024xf32, #tpu.memory_space<hbm>> -> memref<16x1024xf32, #tpu.memory_space<hbm>>
          %dma_wait3A_218 = arith.constant 0 : i32
          %dma_wait3A_219 = arith.constant 0 : i32
          %dma_wait3A_220 = tpu.memref_slice %arg6[%rem3A_187, %dma_wait3A_218, %dma_wait3A_219] : memref<4x16x1024xf32, #tpu.memory_space<vmem>> -> memref<1x16x1024xf32, #tpu.memory_space<vmem>>
          %dma_wait3A_221 = tpu.memref_squeeze %dma_wait3A_220 : memref<1x16x1024xf32, #tpu.memory_space<vmem>> -> memref<16x1024xf32, #tpu.memory_space<vmem>>
          tpu.wait_dma2 semaphore(%dma_wait3A_215 : memref<!tpu.dma_semaphore, #tpu.memory_space<semaphore_mem>>) src(%dma_wait3A_221 : memref<16x1024xf32, #tpu.memory_space<vmem>>) dst(%dma_wait3A_217 : memref<16x1024xf32, #tpu.memory_space<hbm>>)
        } else {
        }
        %add3A_192 = arith.constant 4 : i32
        %add3A_193 = arith.addi %scan3A_143, %add3A_192 : i32
        %sub3A_194 = arith.constant 1 : i32
        %sub3A_195 = arith.subi %add3A_193, %sub3A_194 : i32
        %mul3A_196 = arith.constant 16 : i32
        %mul3A_197 = arith.muli %sub3A_195, %mul3A_196 : i32
        %dma_start3A_198 = arith.constant 0 : i32
        %dma_start3A_199 = arith.constant 0 : i32
        %dma_start3A_200 = tpu.memref_slice %arg6[%rem3A_187, %dma_start3A_198, %dma_start3A_199] : memref<4x16x1024xf32, #tpu.memory_space<vmem>> -> memref<1x16x1024xf32, #tpu.memory_space<vmem>>
        %dma_start3A_201 = tpu.memref_squeeze %dma_start3A_200 : memref<1x16x1024xf32, #tpu.memory_space<vmem>> -> memref<16x1024xf32, #tpu.memory_space<vmem>>
        %dma_start3A_202 = tpu.memref_slice %arg5[%mul3A_197] : memref<128xi32, #tpu.memory_space<vmem>> -> memref<16xi32, #tpu.memory_space<vmem>>
        %dma_start3A_203 = arith.constant 0 : i32
        %dma_start3A_204 = arith.constant 0 : i32
        %dma_start3A_205 = tpu.memref_slice %arg3[%dma_start3A_203, %dma_start3A_204] : memref<50257x1024xf32, #tpu.memory_space<hbm>> -> memref<50257x1024xf32, #tpu.memory_space<hbm>>
        %dma_start3A_206 = tpu.memref_slice %arg7[%rem3A_187] : memref<4x!tpu.dma_semaphore, #tpu.memory_space<semaphore_mem>> -> memref<1x!tpu.dma_semaphore, #tpu.memory_space<semaphore_mem>>
        %dma_start3A_207 = tpu.memref_squeeze %dma_start3A_206 : memref<1x!tpu.dma_semaphore, #tpu.memory_space<semaphore_mem>> -> memref<!tpu.dma_semaphore, #tpu.memory_space<semaphore_mem>>
        tpu.enqueue_indirect_dma source(%dma_start3A_205 : memref<50257x1024xf32, #tpu.memory_space<hbm>>) target(%dma_start3A_201 : memref<16x1024xf32, #tpu.memory_space<vmem>>) offsets(%dma_start3A_202 : memref<16xi32, #tpu.memory_space<vmem>>) semaphore(%dma_start3A_207 : memref<!tpu.dma_semaphore, #tpu.memory_space<semaphore_mem>>)
      } else {
      }
    }
    %scan3A_79 = arith.constant 8 : i32
    %dma_wait3A = arith.constant 0 : i32
    %dma_wait3A_80 = arith.constant 0 : i32
    %dma_wait3A_81 = arith.constant 0 : i32
    %dma_wait3A_82 = arith.constant 0 : i32
    %dma_wait3A_83 = tpu.memref_slice %arg6[%dma_wait3A, %dma_wait3A_81, %dma_wait3A_82] : memref<4x16x1024xf32, #tpu.memory_space<vmem>> -> memref<1x16x1024xf32, #tpu.memory_space<vmem>>
    %dma_wait3A_84 = tpu.memref_squeeze %dma_wait3A_83 : memref<1x16x1024xf32, #tpu.memory_space<vmem>> -> memref<16x1024xf32, #tpu.memory_space<vmem>>
    %dma_wait3A_85 = arith.constant 0 : i32
    %dma_wait3A_86 = tpu.memref_slice %arg4[%mul3A_2, %dma_wait3A_85] : memref<4096x1024xf32, #tpu.memory_space<hbm>> -> memref<16x1024xf32, #tpu.memory_space<hbm>>
    %dma_wait3A_87 = tpu.memref_slice %arg8[%dma_wait3A_80] : memref<4x!tpu.dma_semaphore, #tpu.memory_space<semaphore_mem>> -> memref<1x!tpu.dma_semaphore, #tpu.memory_space<semaphore_mem>>
    %dma_wait3A_88 = tpu.memref_squeeze %dma_wait3A_87 : memref<1x!tpu.dma_semaphore, #tpu.memory_space<semaphore_mem>> -> memref<!tpu.dma_semaphore, #tpu.memory_space<semaphore_mem>>
    %dma_wait3A_89 = arith.constant 0 : i32
    %dma_wait3A_90 = tpu.memref_slice %arg4[%mul3A_2, %dma_wait3A_89] : memref<4096x1024xf32, #tpu.memory_space<hbm>> -> memref<16x1024xf32, #tpu.memory_space<hbm>>
    %dma_wait3A_91 = arith.constant 0 : i32
    %dma_wait3A_92 = arith.constant 0 : i32
    %dma_wait3A_93 = tpu.memref_slice %arg6[%dma_wait3A, %dma_wait3A_91, %dma_wait3A_92] : memref<4x16x1024xf32, #tpu.memory_space<vmem>> -> memref<1x16x1024xf32, #tpu.memory_space<vmem>>
    %dma_wait3A_94 = tpu.memref_squeeze %dma_wait3A_93 : memref<1x16x1024xf32, #tpu.memory_space<vmem>> -> memref<16x1024xf32, #tpu.memory_space<vmem>>
    tpu.wait_dma2 semaphore(%dma_wait3A_88 : memref<!tpu.dma_semaphore, #tpu.memory_space<semaphore_mem>>) src(%dma_wait3A_94 : memref<16x1024xf32, #tpu.memory_space<vmem>>) dst(%dma_wait3A_90 : memref<16x1024xf32, #tpu.memory_space<hbm>>)
    %dma_wait3A_95 = arith.constant 1 : i32
    %dma_wait3A_96 = arith.constant 1 : i32
    %dma_wait3A_97 = arith.constant 0 : i32
    %dma_wait3A_98 = arith.constant 0 : i32
    %dma_wait3A_99 = tpu.memref_slice %arg6[%dma_wait3A_95, %dma_wait3A_97, %dma_wait3A_98] : memref<4x16x1024xf32, #tpu.memory_space<vmem>> -> memref<1x16x1024xf32, #tpu.memory_space<vmem>>
    %dma_wait3A_100 = tpu.memref_squeeze %dma_wait3A_99 : memref<1x16x1024xf32, #tpu.memory_space<vmem>> -> memref<16x1024xf32, #tpu.memory_space<vmem>>
    %dma_wait3A_101 = arith.constant 0 : i32
    %dma_wait3A_102 = tpu.memref_slice %arg4[%mul3A_2, %dma_wait3A_101] : memref<4096x1024xf32, #tpu.memory_space<hbm>> -> memref<16x1024xf32, #tpu.memory_space<hbm>>
    %dma_wait3A_103 = tpu.memref_slice %arg8[%dma_wait3A_96] : memref<4x!tpu.dma_semaphore, #tpu.memory_space<semaphore_mem>> -> memref<1x!tpu.dma_semaphore, #tpu.memory_space<semaphore_mem>>
    %dma_wait3A_104 = tpu.memref_squeeze %dma_wait3A_103 : memref<1x!tpu.dma_semaphore, #tpu.memory_space<semaphore_mem>> -> memref<!tpu.dma_semaphore, #tpu.memory_space<semaphore_mem>>
    %dma_wait3A_105 = arith.constant 0 : i32
    %dma_wait3A_106 = tpu.memref_slice %arg4[%mul3A_2, %dma_wait3A_105] : memref<4096x1024xf32, #tpu.memory_space<hbm>> -> memref<16x1024xf32, #tpu.memory_space<hbm>>
    %dma_wait3A_107 = arith.constant 0 : i32
    %dma_wait3A_108 = arith.constant 0 : i32
    %dma_wait3A_109 = tpu.memref_slice %arg6[%dma_wait3A_95, %dma_wait3A_107, %dma_wait3A_108] : memref<4x16x1024xf32, #tpu.memory_space<vmem>> -> memref<1x16x1024xf32, #tpu.memory_space<vmem>>
    %dma_wait3A_110 = tpu.memref_squeeze %dma_wait3A_109 : memref<1x16x1024xf32, #tpu.memory_space<vmem>> -> memref<16x1024xf32, #tpu.memory_space<vmem>>
    tpu.wait_dma2 semaphore(%dma_wait3A_104 : memref<!tpu.dma_semaphore, #tpu.memory_space<semaphore_mem>>) src(%dma_wait3A_110 : memref<16x1024xf32, #tpu.memory_space<vmem>>) dst(%dma_wait3A_106 : memref<16x1024xf32, #tpu.memory_space<hbm>>)
    %dma_wait3A_111 = arith.constant 2 : i32
    %dma_wait3A_112 = arith.constant 2 : i32
    %dma_wait3A_113 = arith.constant 0 : i32
    %dma_wait3A_114 = arith.constant 0 : i32
    %dma_wait3A_115 = tpu.memref_slice %arg6[%dma_wait3A_111, %dma_wait3A_113, %dma_wait3A_114] : memref<4x16x1024xf32, #tpu.memory_space<vmem>> -> memref<1x16x1024xf32, #tpu.memory_space<vmem>>
    %dma_wait3A_116 = tpu.memref_squeeze %dma_wait3A_115 : memref<1x16x1024xf32, #tpu.memory_space<vmem>> -> memref<16x1024xf32, #tpu.memory_space<vmem>>
    %dma_wait3A_117 = arith.constant 0 : i32
    %dma_wait3A_118 = tpu.memref_slice %arg4[%mul3A_2, %dma_wait3A_117] : memref<4096x1024xf32, #tpu.memory_space<hbm>> -> memref<16x1024xf32, #tpu.memory_space<hbm>>
    %dma_wait3A_119 = tpu.memref_slice %arg8[%dma_wait3A_112] : memref<4x!tpu.dma_semaphore, #tpu.memory_space<semaphore_mem>> -> memref<1x!tpu.dma_semaphore, #tpu.memory_space<semaphore_mem>>
    %dma_wait3A_120 = tpu.memref_squeeze %dma_wait3A_119 : memref<1x!tpu.dma_semaphore, #tpu.memory_space<semaphore_mem>> -> memref<!tpu.dma_semaphore, #tpu.memory_space<semaphore_mem>>
    %dma_wait3A_121 = arith.constant 0 : i32
    %dma_wait3A_122 = tpu.memref_slice %arg4[%mul3A_2, %dma_wait3A_121] : memref<4096x1024xf32, #tpu.memory_space<hbm>> -> memref<16x1024xf32, #tpu.memory_space<hbm>>
    %dma_wait3A_123 = arith.constant 0 : i32
    %dma_wait3A_124 = arith.constant 0 : i32
    %dma_wait3A_125 = tpu.memref_slice %arg6[%dma_wait3A_111, %dma_wait3A_123, %dma_wait3A_124] : memref<4x16x1024xf32, #tpu.memory_space<vmem>> -> memref<1x16x1024xf32, #tpu.memory_space<vmem>>
    %dma_wait3A_126 = tpu.memref_squeeze %dma_wait3A_125 : memref<1x16x1024xf32, #tpu.memory_space<vmem>> -> memref<16x1024xf32, #tpu.memory_space<vmem>>
    tpu.wait_dma2 semaphore(%dma_wait3A_120 : memref<!tpu.dma_semaphore, #tpu.memory_space<semaphore_mem>>) src(%dma_wait3A_126 : memref<16x1024xf32, #tpu.memory_space<vmem>>) dst(%dma_wait3A_122 : memref<16x1024xf32, #tpu.memory_space<hbm>>)
    %dma_wait3A_127 = arith.constant 3 : i32
    %dma_wait3A_128 = arith.constant 3 : i32
    %dma_wait3A_129 = arith.constant 0 : i32
    %dma_wait3A_130 = arith.constant 0 : i32
    %dma_wait3A_131 = tpu.memref_slice %arg6[%dma_wait3A_127, %dma_wait3A_129, %dma_wait3A_130] : memref<4x16x1024xf32, #tpu.memory_space<vmem>> -> memref<1x16x1024xf32, #tpu.memory_space<vmem>>
    %dma_wait3A_132 = tpu.memref_squeeze %dma_wait3A_131 : memref<1x16x1024xf32, #tpu.memory_space<vmem>> -> memref<16x1024xf32, #tpu.memory_space<vmem>>
    %dma_wait3A_133 = arith.constant 0 : i32
    %dma_wait3A_134 = tpu.memref_slice %arg4[%mul3A_2, %dma_wait3A_133] : memref<4096x1024xf32, #tpu.memory_space<hbm>> -> memref<16x1024xf32, #tpu.memory_space<hbm>>
    %dma_wait3A_135 = tpu.memref_slice %arg8[%dma_wait3A_128] : memref<4x!tpu.dma_semaphore, #tpu.memory_space<semaphore_mem>> -> memref<1x!tpu.dma_semaphore, #tpu.memory_space<semaphore_mem>>
    %dma_wait3A_136 = tpu.memref_squeeze %dma_wait3A_135 : memref<1x!tpu.dma_semaphore, #tpu.memory_space<semaphore_mem>> -> memref<!tpu.dma_semaphore, #tpu.memory_space<semaphore_mem>>
    %dma_wait3A_137 = arith.constant 0 : i32
    %dma_wait3A_138 = tpu.memref_slice %arg4[%mul3A_2, %dma_wait3A_137] : memref<4096x1024xf32, #tpu.memory_space<hbm>> -> memref<16x1024xf32, #tpu.memory_space<hbm>>
    %dma_wait3A_139 = arith.constant 0 : i32
    %dma_wait3A_140 = arith.constant 0 : i32
    %dma_wait3A_141 = tpu.memref_slice %arg6[%dma_wait3A_127, %dma_wait3A_139, %dma_wait3A_140] : memref<4x16x1024xf32, #tpu.memory_space<vmem>> -> memref<1x16x1024xf32, #tpu.memory_space<vmem>>
    %dma_wait3A_142 = tpu.memref_squeeze %dma_wait3A_141 : memref<1x16x1024xf32, #tpu.memory_space<vmem>> -> memref<16x1024xf32, #tpu.memory_space<vmem>>
    tpu.wait_dma2 semaphore(%dma_wait3A_136 : memref<!tpu.dma_semaphore, #tpu.memory_space<semaphore_mem>>) src(%dma_wait3A_142 : memref<16x1024xf32, #tpu.memory_space<vmem>>) dst(%dma_wait3A_138 : memref<16x1024xf32, #tpu.memory_space<hbm>>)
    return
  }
}

module attributes {stable_mosaic.version = 14 : i64} {
  func.func @_ln_block_kernel(%arg0: i32, %arg1: i32, %arg2: memref<1024x1024xf32, #tpu.memory_space<vmem>>, %arg3: memref<1024x1024xf32, #tpu.memory_space<vmem>>, %arg4: memref<1x1024xf32, #tpu.memory_space<vmem>>, %arg5: memref<1x1024xf32, #tpu.memory_space<vmem>>, %arg6: memref<1024x1024xf32, #tpu.memory_space<vmem>>) attributes {dimension_semantics = [#tpu.dimension_semantics<arbitrary>, #tpu.dimension_semantics<arbitrary>], iteration_bounds = array<i64: 1, 4>, scalar_prefetch = 0 : i64, scratch_operands = 0 : i64, tpu.core_type = #tpu.core_type<tc>, window_params = [{transform_indices = @transform_0, window_bounds = array<i64: 1024, 1024>}, {transform_indices = @transform_1, window_bounds = array<i64: 1024, 1024>}, {pipeline_mode = #tpu.pipeline_mode<synchronous>, transform_indices = @transform_2, window_bounds = array<i64: 1, 1024>}, {pipeline_mode = #tpu.pipeline_mode<synchronous>, transform_indices = @transform_3, window_bounds = array<i64: 1, 1024>}, {transform_indices = @transform_4, window_bounds = array<i64: 1024, 1024>}]} {
    %get3A = arith.constant 0 : index
    %get3A_0 = arith.constant 0 : index
    %get3A_1 = vector.load %arg2[%get3A, %get3A_0] : memref<1024x1024xf32, #tpu.memory_space<vmem>>, vector<1024x1024xf32>
    %get3A_2 = arith.constant 0 : index
    %get3A_3 = arith.constant 0 : index
    %get3A_4 = vector.load %arg3[%get3A_2, %get3A_3] : memref<1024x1024xf32, #tpu.memory_space<vmem>>, vector<1024x1024xf32>
    %add3A = arith.addf %get3A_1, %get3A_4 : vector<1024x1024xf32>
    %reduce_sum3A = arith.constant dense<0.000000e+00> : vector<1024xf32>
    %reduce_sum3A_5 = vector.multi_reduction <add>, %add3A, %reduce_sum3A [1] : vector<1024x1024xf32> to vector<1024xf32>
    %broadcast_in_dim3A = vector.shape_cast %reduce_sum3A_5 : vector<1024xf32> to vector<1024x1xf32>
    %mul3A = arith.constant 9.765625E-4 : f32
    %mul3A_6 = vector.broadcast %mul3A : f32 to vector<1024x1xf32>
    %mul3A_7 = arith.mulf %broadcast_in_dim3A, %mul3A_6 : vector<1024x1xf32>
    %mul3A_8 = arith.mulf %add3A, %add3A : vector<1024x1024xf32>
    %reduce_sum3A_9 = arith.constant dense<0.000000e+00> : vector<1024xf32>
    %reduce_sum3A_10 = vector.multi_reduction <add>, %mul3A_8, %reduce_sum3A_9 [1] : vector<1024x1024xf32> to vector<1024xf32>
    %broadcast_in_dim3A_11 = vector.shape_cast %reduce_sum3A_10 : vector<1024xf32> to vector<1024x1xf32>
    %mul3A_12 = arith.constant 9.765625E-4 : f32
    %mul3A_13 = vector.broadcast %mul3A_12 : f32 to vector<1024x1xf32>
    %mul3A_14 = arith.mulf %broadcast_in_dim3A_11, %mul3A_13 : vector<1024x1xf32>
    %mul3A_15 = arith.mulf %mul3A_7, %mul3A_7 : vector<1024x1xf32>
    %sub3A = arith.subf %mul3A_14, %mul3A_15 : vector<1024x1xf32>
    %add3A_16 = arith.constant 9.99999974E-6 : f32
    %add3A_17 = vector.broadcast %add3A_16 : f32 to vector<1024x1xf32>
    %add3A_18 = arith.addf %sub3A, %add3A_17 : vector<1024x1xf32>
    %rsqrt3A = math.rsqrt %add3A_18 : vector<1024x1xf32>
    %sub3A_19 = vector.broadcast %mul3A_7 : vector<1024x1xf32> to vector<1024x1024xf32>
    %sub3A_20 = arith.subf %add3A, %sub3A_19 : vector<1024x1024xf32>
    %mul3A_21 = vector.broadcast %rsqrt3A : vector<1024x1xf32> to vector<1024x1024xf32>
    %mul3A_22 = arith.mulf %sub3A_20, %mul3A_21 : vector<1024x1024xf32>
    %get3A_23 = arith.constant 0 : index
    %get3A_24 = arith.constant 0 : index
    %get3A_25 = vector.load %arg4[%get3A_23, %get3A_24] : memref<1x1024xf32, #tpu.memory_space<vmem>>, vector<1x1024xf32>
    %mul3A_26 = vector.broadcast %get3A_25 : vector<1x1024xf32> to vector<1024x1024xf32>
    %mul3A_27 = arith.mulf %mul3A_22, %mul3A_26 : vector<1024x1024xf32>
    %get3A_28 = arith.constant 0 : index
    %get3A_29 = arith.constant 0 : index
    %get3A_30 = vector.load %arg5[%get3A_28, %get3A_29] : memref<1x1024xf32, #tpu.memory_space<vmem>>, vector<1x1024xf32>
    %add3A_31 = vector.broadcast %get3A_30 : vector<1x1024xf32> to vector<1024x1024xf32>
    %add3A_32 = arith.addf %mul3A_27, %add3A_31 : vector<1024x1024xf32>
    %swap3A = arith.constant 0 : index
    %swap3A_33 = arith.constant 0 : index
    %swap3A_34 = vector.load %arg6[%swap3A, %swap3A_33] : memref<1024x1024xf32, #tpu.memory_space<vmem>>, vector<1024x1024xf32>
    tpu.vector_store %arg6[%swap3A, %swap3A_33], %add3A_32 {strides = array<i32>} : memref<1024x1024xf32, #tpu.memory_space<vmem>>, vector<1024x1024xf32>,
    return
  }
  func.func @transform_0(%arg0: i32, %arg1: i32) -> (i32, i32) {
    %mul3A = arith.constant 1 : i32
    %mul3A_0 = arith.muli %arg1, %mul3A : i32
    %add3A = arith.addi %mul3A_0, %arg0 : i32
    %c0_i32 = arith.constant 0 : i32
    %c0_i32_1 = arith.constant 0 : i32
    return %add3A, %c0_i32 : i32, i32
  }
  func.func @transform_1(%arg0: i32, %arg1: i32) -> (i32, i32) {
    %add3A = arith.constant 0 : i32
    %add3A_0 = arith.addi %add3A, %arg0 : i32
    %c0_i32 = arith.constant 0 : i32
    %c0_i32_1 = arith.constant 0 : i32
    return %add3A_0, %c0_i32 : i32, i32
  }
  func.func @transform_2(%arg0: i32, %arg1: i32) -> (i32, i32) {
    %c0_i32 = arith.constant 0 : i32
    %c0_i32_0 = arith.constant 0 : i32
    %c0_i32_1 = arith.constant 0 : i32
    return %c0_i32, %c0_i32_0 : i32, i32
  }
  func.func @transform_3(%arg0: i32, %arg1: i32) -> (i32, i32) {
    %c0_i32 = arith.constant 0 : i32
    %c0_i32_0 = arith.constant 0 : i32
    %c0_i32_1 = arith.constant 0 : i32
    return %c0_i32, %c0_i32_0 : i32, i32
  }
  func.func @transform_4(%arg0: i32, %arg1: i32) -> (i32, i32) {
    %mul3A = arith.constant 2 : i32
    %mul3A_0 = arith.muli %arg1, %mul3A : i32
    %add3A = arith.constant 0 : i32
    %add3A_1 = arith.addi %mul3A_0, %add3A : i32
    %add3A_2 = arith.addi %add3A_1, %arg0 : i32
    %c0_i32 = arith.constant 0 : i32
    %c0_i32_3 = arith.constant 0 : i32
    return %add3A_2, %c0_i32 : i32, i32
  }
}

module attributes {stable_mosaic.version = 14 : i64} {
  func.func @_ln_chain_kernel(%arg0: i32, %arg1: i32, %arg2: memref<8192x1024xf32, #tpu.memory_space<any>>, %arg3: memref<1024x1024xf32, #tpu.memory_space<vmem>>, %arg4: memref<1024x1024xf32, #tpu.memory_space<vmem>>, %arg5: memref<1x1024xf32, #tpu.memory_space<vmem>>, %arg6: memref<1x1024xf32, #tpu.memory_space<vmem>>, %arg7: memref<1024x1024xf32, #tpu.memory_space<vmem>>) attributes {dimension_semantics = [#tpu.dimension_semantics<arbitrary>, #tpu.dimension_semantics<arbitrary>], iteration_bounds = array<i64: 1, 4>, scalar_prefetch = 0 : i64, scratch_operands = 0 : i64, tpu.core_type = #tpu.core_type<tc>, window_params = [{}, {transform_indices = @transform_1, window_bounds = array<i64: 1024, 1024>}, {transform_indices = @transform_2, window_bounds = array<i64: 1024, 1024>}, {pipeline_mode = #tpu.pipeline_mode<synchronous>, transform_indices = @transform_3, window_bounds = array<i64: 1, 1024>}, {pipeline_mode = #tpu.pipeline_mode<synchronous>, transform_indices = @transform_4, window_bounds = array<i64: 1, 1024>}, {transform_indices = @transform_5, window_bounds = array<i64: 1024, 1024>}]} {
    %get3A = arith.constant 0 : index
    %get3A_0 = arith.constant 0 : index
    %get3A_1 = vector.load %arg3[%get3A, %get3A_0] : memref<1024x1024xf32, #tpu.memory_space<vmem>>, vector<1024x1024xf32>
    %get3A_2 = arith.constant 0 : index
    %get3A_3 = arith.constant 0 : index
    %get3A_4 = vector.load %arg4[%get3A_2, %get3A_3] : memref<1024x1024xf32, #tpu.memory_space<vmem>>, vector<1024x1024xf32>
    %add3A = arith.addf %get3A_1, %get3A_4 : vector<1024x1024xf32>
    %reduce_sum3A = arith.constant dense<0.000000e+00> : vector<1024xf32>
    %reduce_sum3A_5 = vector.multi_reduction <add>, %add3A, %reduce_sum3A [1] : vector<1024x1024xf32> to vector<1024xf32>
    %broadcast_in_dim3A = vector.shape_cast %reduce_sum3A_5 : vector<1024xf32> to vector<1024x1xf32>
    %mul3A = arith.constant 9.765625E-4 : f32
    %mul3A_6 = vector.broadcast %mul3A : f32 to vector<1024x1xf32>
    %mul3A_7 = arith.mulf %broadcast_in_dim3A, %mul3A_6 : vector<1024x1xf32>
    %mul3A_8 = arith.mulf %add3A, %add3A : vector<1024x1024xf32>
    %reduce_sum3A_9 = arith.constant dense<0.000000e+00> : vector<1024xf32>
    %reduce_sum3A_10 = vector.multi_reduction <add>, %mul3A_8, %reduce_sum3A_9 [1] : vector<1024x1024xf32> to vector<1024xf32>
    %broadcast_in_dim3A_11 = vector.shape_cast %reduce_sum3A_10 : vector<1024xf32> to vector<1024x1xf32>
    %mul3A_12 = arith.constant 9.765625E-4 : f32
    %mul3A_13 = vector.broadcast %mul3A_12 : f32 to vector<1024x1xf32>
    %mul3A_14 = arith.mulf %broadcast_in_dim3A_11, %mul3A_13 : vector<1024x1xf32>
    %mul3A_15 = arith.mulf %mul3A_7, %mul3A_7 : vector<1024x1xf32>
    %sub3A = arith.subf %mul3A_14, %mul3A_15 : vector<1024x1xf32>
    %add3A_16 = arith.constant 9.99999974E-6 : f32
    %add3A_17 = vector.broadcast %add3A_16 : f32 to vector<1024x1xf32>
    %add3A_18 = arith.addf %sub3A, %add3A_17 : vector<1024x1xf32>
    %rsqrt3A = math.rsqrt %add3A_18 : vector<1024x1xf32>
    %sub3A_19 = vector.broadcast %mul3A_7 : vector<1024x1xf32> to vector<1024x1024xf32>
    %sub3A_20 = arith.subf %add3A, %sub3A_19 : vector<1024x1024xf32>
    %mul3A_21 = vector.broadcast %rsqrt3A : vector<1024x1xf32> to vector<1024x1024xf32>
    %mul3A_22 = arith.mulf %sub3A_20, %mul3A_21 : vector<1024x1024xf32>
    %get3A_23 = arith.constant 0 : index
    %get3A_24 = arith.constant 0 : index
    %get3A_25 = vector.load %arg5[%get3A_23, %get3A_24] : memref<1x1024xf32, #tpu.memory_space<vmem>>, vector<1x1024xf32>
    %mul3A_26 = vector.broadcast %get3A_25 : vector<1x1024xf32> to vector<1024x1024xf32>
    %mul3A_27 = arith.mulf %mul3A_22, %mul3A_26 : vector<1024x1024xf32>
    %get3A_28 = arith.constant 0 : index
    %get3A_29 = arith.constant 0 : index
    %get3A_30 = vector.load %arg6[%get3A_28, %get3A_29] : memref<1x1024xf32, #tpu.memory_space<vmem>>, vector<1x1024xf32>
    %add3A_31 = vector.broadcast %get3A_30 : vector<1x1024xf32> to vector<1024x1024xf32>
    %add3A_32 = arith.addf %mul3A_27, %add3A_31 : vector<1024x1024xf32>
    %swap3A = arith.constant 0 : index
    %swap3A_33 = arith.constant 0 : index
    %swap3A_34 = vector.load %arg7[%swap3A, %swap3A_33] : memref<1024x1024xf32, #tpu.memory_space<vmem>>, vector<1024x1024xf32>
    tpu.vector_store %arg7[%swap3A, %swap3A_33], %add3A_32 {strides = array<i32>} : memref<1024x1024xf32, #tpu.memory_space<vmem>>, vector<1024x1024xf32>,
    return
  }
  func.func @transform_1(%arg0: i32, %arg1: i32) -> (i32, i32) {
    %mul3A = arith.constant 1 : i32
    %mul3A_0 = arith.muli %arg1, %mul3A : i32
    %add3A = arith.addi %mul3A_0, %arg0 : i32
    %c0_i32 = arith.constant 0 : i32
    %c0_i32_1 = arith.constant 0 : i32
    return %add3A, %c0_i32 : i32, i32
  }
  func.func @transform_2(%arg0: i32, %arg1: i32) -> (i32, i32) {
    %add3A = arith.constant 1 : i32
    %add3A_0 = arith.addi %add3A, %arg0 : i32
    %c0_i32 = arith.constant 0 : i32
    %c0_i32_1 = arith.constant 0 : i32
    return %add3A_0, %c0_i32 : i32, i32
  }
  func.func @transform_3(%arg0: i32, %arg1: i32) -> (i32, i32) {
    %c0_i32 = arith.constant 0 : i32
    %c0_i32_0 = arith.constant 0 : i32
    %c0_i32_1 = arith.constant 0 : i32
    return %c0_i32, %c0_i32_0 : i32, i32
  }
  func.func @transform_4(%arg0: i32, %arg1: i32) -> (i32, i32) {
    %c0_i32 = arith.constant 0 : i32
    %c0_i32_0 = arith.constant 0 : i32
    %c0_i32_1 = arith.constant 0 : i32
    return %c0_i32, %c0_i32_0 : i32, i32
  }
  func.func @transform_5(%arg0: i32, %arg1: i32) -> (i32, i32) {
    %mul3A = arith.constant 2 : i32
    %mul3A_0 = arith.muli %arg1, %mul3A : i32
    %add3A = arith.constant 1 : i32
    %add3A_1 = arith.addi %mul3A_0, %add3A : i32
    %add3A_2 = arith.addi %add3A_1, %arg0 : i32
    %c0_i32 = arith.constant 0 : i32
    %c0_i32_3 = arith.constant 0 : i32
    return %add3A_2, %c0_i32 : i32, i32
  }
}

</mosaic_0001>

<sc_bundles>
// kernel: kernel.6.cloned.1.call-start
scs
__scs_entry_jumppad:
0x0: {  	(pc) =	sbr.rel $0x88, $3  }
0x1: {  	(tag) =	ssettag $0x0;
	lr =	simm.s32 $0x1  }
0x2: {  	[smem:$0x3F9C] =	sst lr;
	_ =	strace $0xD0000000  }
0x3: {  	_ = 	snop  }
0x4: {  	_ = 	snop  }
0x5: {  	_ = 	snop  }
0x6: {  	_ = 	snop  }
0x7: {  	_ = 	snop  }
__scs_overlays_trampoline_lowered:
0x8: {  	[smem:$0x3FAB] =	sst s0  }
0x9: {  	[smem:$0x3FAC] =	sst s1  }
0xa: {  	[smem:$0x3FAD] =	sst s2  }
0xb: {  	[smem:$0x3FAE] =	sst s3  }
0xc: {  	[smem:$0x3FAF] =	sst s4  }
0xd: {  	[smem:$0x3FB0] =	sst s5  }
0xe: {  	[smem:$0x3FB1] =	sst s6  }
0xf: {  	[smem:$0x3FB2] =	sst s7  }
0x10: {  	[smem:$0x3FB3] =	sst s8  }
0x11: {  	[smem:$0x3FB4] =	sst s9;
	s0 =	simm.s32 @!p0 $0x0  }
0x12: {  	s1 =	sld [smem:$0x3F9A];
	s0 =	simm.s32 @p0 $0x1  }
0x13: {  	[smem:$0x3FB5] =	sst s0;
	s0 =	simm.s32 @!p1 $0x0  }
0x14: {  	s2 =	sld [smem:$0x3F99];
	s0 =	simm.s32 @p1 $0x1  }
0x15: {  	[smem:$0x3FB6] =	sst s0;
	s0 =	simm.s32 @!p2 $0x0  }
0x16: {  	s3 =	sld [smem:$0x3FDB];
	s0 =	simm.s32 @p2 $0x1  }
0x17: {  	s4 =	simm.s32 $0x1BF5;
	[smem:$0x3FB8] =	sst s0  }
0x18: {  	s0 =	sld [smem:$0x3F9B];
	_ =	swait.ge [sflag:s4], $0x0  }
0x19: {  	s7 =	sld [smem:$0x3F9C]  }
0x1a: {  	s8 =	sadd.s32 $0xFFFFE003, lr  }
0x1b: {  	s9 =	sadd.s32 $0xFFFFFEF7, lr;
	s5 =	simm.s32 $0xFFFFFFFF;
	p2 =	slt.u32 s8, $0xFFFFF086  }
0x1c: {  	p1 =	slt.u32 s9, $0xF7A;
	s5 =	simm.s32 @!p2 $0x0  }
0x1d: {  	s5 =	simm.s32 @p1 $0x1;
	p0 =	seq.s32 s7, s2  }
0x1e: {  	s7 =	smul.u32 @!p0 $0xF7A, s2;
	p2 =	seq.s32 @!p0 s5, $0x0  }
0x1f: {  	s9 =	smul.u32 $0xF7A, s1;
	s8 =	simm.s32 @!p0 $0x1BF5;
	p2 =	por !p2, p0  }
0x20: {  	[sflag:s8] =	ssyncset.s32 @!p0 $0xFFFFF086;
	s6 =	sadd.s32 @!p0 s3, s7;
	s7 =	simm.s32 @!p0 $0x108  }
0x21: {  	s3 =	sadd.s32 s3, s9;
	s6 =	sadd.s32 @!p0 $0x88, s6;
	s7 =	simm.s32 @p2 $0x1082  }
0x22: {  	[simem:s7], [sflag:s8] =	dma.local @!p0 [hbm:s6], $0xF7A  }
0x23: {  	s9 =	sor.u32 $0xD0000000, s2;
	s6 =	simm.s32 $0x108;
	_ =	swait.ge @!p0 [sflag:s8], $0x0  }
0x24: {  	s3 =	sadd.s32 $0x88, s3;
	s6 =	simm.s32 @!p1 $0x1082;
	[sflag:s4] =	ssyncset.s32 $0xFFFFF086  }
0x25: {  	[simem:s6], [sflag:s4] =	dma.local [hbm:s3], $0xF7A  }
0x26: {  	[smem:$0x3F9C] =	sst s1;
	(tag) =	ssettag s2;
	_ =	strace s9  }
0x27: {  	s1 =	sld [smem:$0x3FAC]  }
0x28: {  	s2 =	sld [smem:$0x3FAD]  }
0x29: {  	s4 =	sld [smem:$0x3FAF]  }
0x2a: {  	p0 =	seq.s32 s5, $0x0;
	s5 =	sld [smem:$0x3FB0]  }
0x2b: {  	s6 =	sld [smem:$0x3FB1]  }
0x2c: {  	s7 =	sld [smem:$0x3FB2]  }
0x2d: {  	s3 =	simm.s32 $0x108;
	s8 =	sld [smem:$0x3FB3]  }
0x2e: {  	s3 =	simm.s32 @!p0 $0x1082;
	s9 =	sld [smem:$0x3FB4]  }
0x2f: {  	lr =	sadd.s32 s0, s3;
	s0 =	sld [smem:$0x3FAB]  }
0x30: {  	s3 =	sld [smem:$0x3FAE]  }
0x31: {  	[smem:$0x3FB7] =	sst s10  }
0x32: {  	s10 =	sld [smem:$0x3FB5];
	_ =	sdelay $0x3  }
0x33: {  	p0 =	seq.s32 s10, $0x1;
	s10 =	sld [smem:$0x3FB7];
	_ =	sdelay $0x3  }
0x34: {  	[smem:$0x3FB7] =	sst s10  }
0x35: {  	s10 =	sld [smem:$0x3FB6];
	_ =	sdelay $0x3  }
0x36: {  	p1 =	seq.s32 s10, $0x1;
	s10 =	sld [smem:$0x3FB7];
	_ =	sdelay $0x3  }
0x37: {  	[smem:$0x3FB7] =	sst s10  }
0x38: {  	s10 =	sld [smem:$0x3FB8]  }
0x39: {  	_ = 	snop;
	(pc) =	sbr.ind lr, $3  }
0x3a: {  	_ = 	snop  }
0x3b: {  	_ = 	snop  }
0x3c: {  	p2 =	seq.s32 s10, $0x1;
	s10 =	sld [smem:$0x3FB7]  }
0x3d: {  	_ =	shalt  }
0x3e: {  	_ =	shalt  }
0x3f: {  	_ =	shalt  }
0x40: {  	_ =	shalt  }
0x41: {  	_ =	shalt  }
0x42: {  	_ =	shalt  }
0x43: {  	_ =	shalt  }
0x44: {  	_ =	shalt  }
0x45: {  	_ =	shalt  }
0x46: {  	_ =	shalt  }
0x47: {  	_ =	shalt  }
0x48: {  	_ =	shalt  }
0x49: {  	_ =	shalt  }
0x4a: {  	_ =	shalt  }
0x4b: {  	_ =	shalt  }
0x4c: {  	_ =	shalt  }
0x4d: {  	_ =	shalt  }
0x4e: {  	_ =	shalt  }
0x4f: {  	_ =	shalt  }
0x50: {  	_ =	shalt  }
0x51: {  	_ =	shalt  }
0x52: {  	_ =	shalt  }
0x53: {  	_ =	shalt  }
0x54: {  	_ =	shalt  }
0x55: {  	_ =	shalt  }
0x56: {  	_ =	shalt  }
0x57: {  	_ =	shalt  }
0x58: {  	_ =	shalt  }
0x59: {  	_ =	shalt  }
0x5a: {  	_ =	shalt  }
0x5b: {  	_ =	shalt  }
0x5c: {  	_ =	shalt  }
0x5d: {  	_ =	shalt  }
0x5e: {  	_ =	shalt  }
0x5f: {  	_ =	shalt  }
0x60: {  	_ =	shalt  }
0x61: {  	_ =	shalt  }
0x62: {  	_ =	shalt  }
0x63: {  	_ =	shalt  }
0x64: {  	_ =	shalt  }
0x65: {  	_ =	shalt  }
0x66: {  	_ =	shalt  }
0x67: {  	_ =	shalt  }
0x68: {  	_ =	shalt  }
0x69: {  	_ =	shalt  }
0x6a: {  	_ =	shalt  }
0x6b: {  	_ =	shalt  }
0x6c: {  	_ =	shalt  }
0x6d: {  	_ =	shalt  }
0x6e: {  	_ =	shalt  }
0x6f: {  	_ =	shalt  }
0x70: {  	_ =	shalt  }
0x71: {  	_ =	shalt  }
0x72: {  	_ =	shalt  }
0x73: {  	_ =	shalt  }
0x74: {  	_ =	shalt  }
0x75: {  	_ =	shalt  }
0x76: {  	_ =	shalt  }
0x77: {  	_ =	shalt  }
0x78: {  	_ =	shalt  }
0x79: {  	_ =	shalt  }
0x7a: {  	_ =	shalt  }
0x7b: {  	_ =	shalt  }
0x7c: {  	_ =	shalt  }
0x7d: {  	_ =	shalt  }
0x7e: {  	_ =	shalt  }
0x7f: {  	_ =	shalt  }
0x80: {  	_ =	shalt  }
0x81: {  	_ =	shalt  }
0x82: {  	_ =	shalt  }
0x83: {  	_ =	shalt  }
0x84: {  	_ =	shalt  }
0x85: {  	_ =	shalt  }
0x86: {  	_ =	shalt  }
0x87: {  	_ =	shalt  }
.Lfunc_end0:
.L_simem_size_0:
called_computation_lowered:
.L_overlay_start_0:
0x88: {  	s2 =	sld [smem:$0x3FD9]  }
0x89: {  	s3 =	sld [smem:$0x3FFE];
	_ =	sdelay $0x1  }
0x8a: {  	s1 =	srdreg.scid  }
0x8b: {  	s0 =	sand.u32 $0x1, s1  }
0x8c: {  	s18 =	sshll.u32 s0, $0xA;
	s2 =	sadd.s32 s3, s2  }
0x8d: {  	s2 =	sadd.s32 s2, s18  }
0x8e: {  	[smem:$0x3FC3] =	sst s2  }
0x8f: {  	_ = 	snop  }
0x90: {  	s2 =	sld [smem:$0x3FC9]  }
0x91: {  	s19 =	sld [smem:$0x3FC8]  }
0x92: {  	s4 =	sld [smem:$0x3FD0];
	(tm) =	ssettm $0x1  }
0x93: {  	s5 =	sld [smem:$0x3FFB];
	_ =	sdelay $0x3  }
0x94: {  	_ =	strace s5  }
0x95: {  	s5 =	sld [smem:$0x3FFC];
	_ =	sdelay $0x3  }
0x96: {  	_ =	strace s5  }
0x97: {  	s5 =	sld [smem:$0x3FFD];
	_ =	sdelay $0x3  }
0x98: {  	_ =	strace s5  }
0x99: {  	_ =	strace $0x8FFFFFFF  }
0x9a: {  	s20 =	sld [smem:$0x3FDB];
	_ =	sdelay $0x1  }
0x9b: {  	s6 =	simm.s32 $_scs_section_size  }
0x9c: {  	s7 =	simm.s32 $_size__tile_overlayer_lowered;
	s8 =	simm.s32 $_tile_overlayer_lowered  }
0x9d: {  	s23 =	simm.s32 $0x1BFF;
	s22 =	sshll.u32 s8, $0x1;
	s5 =	sadd.s32 s6, s20  }
0x9e: {  	s9 =	simm.s32 $0x0;
	s21 =	sshll.u32 s7, $0x1;
	s7 =	sadd.s32 s22, s5  }
0x9f: {  	[timem:s9], [sflag:s23] =	dma.local [hbm:s7], s21  }
0xa0: {  	_ =	swait.ge [sflag:s23], s21  }
0xa1: {  	s6 =	ssub.s32 $0x0, s21;
	[sflag:s23] =	ssyncset.done $0x0  }
0xa2: {  	[sflag:s23] =	ssyncadd.s32 s6;
	_ =	sdelay $0x1  }
0xa3: {  	s24 =	simm.s32 $0x1B8B  }
0xa4: {  	_ =	swait.ge [sflag:s24], $0x1  }
0xa5: {  	[sflag:s24] =	ssyncset.done $0x0  }
0xa6: {  	s25 =	simm.s32 $0x1B8E;
	[sflag:s24] =	ssyncadd.s32 $0xFFFFFFFF  }
0xa7: {  	s26 =	simm.s32 $execute0_lowered;
	[smem:$0x3FD2] =	sst s25  }
0xa8: {  	s6 =	sshll.u32 s26, $0x1;
	_ =	strace $0x80000046;
	[dreg:$0x1] =	wrdreg $0xFFFFFFFF  }
0xa9: {  	s28 =	simm.s32 $_size_execute0_lowered;
	s5 =	sadd.s32 s5, s6;
	[dreg:$0x0] =	wrdreg $0x0  }
0xaa: {  	s6 =	sshll.u32 s28, $0x1;
	[dreg:$0x2] =	wrdreg s5  }
0xab: {  	[dreg:$0x3] =	wrdreg s6  }
0xac: {  	[dreg:$0x4] =	wrdreg $0xC0  }
0xad: {  	_ =	task [dreg:s9], $0x5FFFF  }
0xae: {  	[dreg:$0x1] =	wrdreg $0xFFFFFFFF  }
0xaf: {  	[dreg:$0x0] =	wrdreg $0x60  }
0xb0: {  	[dreg:$0x2] =	wrdreg s2  }
0xb1: {  	[dreg:$0x3] =	wrdreg s19  }
0xb2: {  	[dreg:$0x4] =	wrdreg s4  }
0xb3: {  	[dreg:$0x5] =	wrdreg $0x9  }
0xb4: {  	_ =	task.clear_ibuf [dreg:s9], $0x6FFFF;
	_ =	strace $0x90000046  }
0xb5: {  	s29 =	simm.s32 $0x9;
	_ =	strace $0x80000048  }
0xb6: {  	_ =	swait.ge [sflag:s29], $0x1  }
0xb7: {  	[sflag:s29] =	ssyncadd.s32 $0xFFFFFFFF  }
0xb8: {  	_ =	strace $0x90000048  }
0xb9: {  	_ =	sfence  }
0xba: {  	s30 =	sld [smem:$0x0];
	_ =	sdelay $0x2  }
0xbb: {  	s31 =	sshll.u32 s1, $0xD;
	s1 =	sshrl.u32 s1, $0x2  }
0xbc: {  	s3 =	sand.u32 $0x4000, s31;
	s1 =	sadd.s32 s1, s30  }
0xbd: {  	s0 =	sor.u32 s3, s0;
	s1 =	sshll.u32 s1, $0x11  }
0xbe: {  	s0 =	sor.u32 s1, s0  }
0xbf: {  	s0 =	sadd.s32 $0x8F2B, s0  }
0xc0: {  	[sflag:s0] =	ssyncadd.remote.s32 $0x1  }
0xc1: {  	_ =	sfence.sel $0xFFFF  }
0xc2: {  	[dreg:$0x0] =	wrdreg $0xFFFFFFFF;
	(pc) =	sbr.abs _section_cstart, $3  }
0xc3: {  	[dreg:$0x1] =	wrdreg $0xFFFFFFFF  }
0xc4: {  	_ =	task.clear_ibuf [dreg:s9], $0x2FFFF;
	_ =	strace $0x9FFFFFFF  }
0xc5: {  	(tm) =	ssettm $0x7FFFFFFF  }
tec
execute0_lowered:
.L_overlay_start_1:
0x0: {  	(tag) =	ssettag $0x1  }
0x1: {  	s0 =	rddreg [dreg:$0x0]  }
0x2: {  	s2 =	rddreg [dreg:$0x1]  }
0x3: {  	s1 =	rddreg [dreg:$0x2];
	s3 =	srdreg.scid  }
0x4: {  	s6 =	stileid.u32;
	s28 =	simm.s32 $0x4;
	s29 =	simm.s32 $0x7  }
0x5: {  	s30 =	simm.s32 $0x8;
	s18 =	simm.s32 $0x80;
	s11 =	simm.s32 $0x1880  }
0x6: {  	s14 =	simm.s32 $0x2080;
	s15 =	simm.s32 $0x2880;
	s16 =	simm.s32 $0x3080  }
0x7: {  	s17 =	simm.s32 $0x3880;
	s19 =	simm.s32 $0x4880;
	s9 =	simm.s32 $0x6880  }
0x8: {  	s10 =	simm.s32 $0x7080;
	s13 =	simm.s32 $0x7880;
	s12 =	simm.s32 $0x8080  }
0x9: {  	s5 =	sand.u32 $0x1, s3;
	s4 =	sshll.u32 s6, $0x1;
	s3 =	simm.s32 $0x0  }
0xa: {  	s6 =	sshll.u32 s6, $0x2;
	s4 =	sor.u32 s5, s4;
	[smem:$0x7FF] =	sst s3  }
0xb: {  	s6 =	sand.u32 $0x30, s6;
	s7 =	sshll.u32 s4, $0x6;
	s4 =	sshll.u32 s4, $0xE  }
0xc: {  	s0 =	sadd.s32 s0, s6;
	s7 =	sand.u32 $0x1C0, s7;
	s4 =	sadd.s32 s1, s4  }
0xd: {  	_ =	strace $0x80000047;
	s0 =	sadd.s32 s7, s0;
	[dreg:$0xc] =	wrdreg s4  }
0xe: {  	s20 =	ssub.s32 $0x2, s5;
	s21 =	sadd.s32 $0x800, s4;
	[dreg:$0x4] =	wrdreg s0  }
0xf: {  	s5 =	sshrl.u32 s20, $0x1;
	s22 =	sadd.s32 $0x1000, s4;
	[dreg:$0x5] =	wrdreg s21  }
0x10: {  	s6 =	sadd.s32 $0x200, s2;
	s23 =	sadd.s32 $0x1800, s4;
	[dreg:$0x6] =	wrdreg s22  }
0x11: {  	s1 =	ssub.s32 s20, s5;
	s24 =	sadd.s32 $0x2000, s4;
	[dreg:$0x7] =	wrdreg s23  }
0x12: {  	s5 =	sadd.s32 $0x100, s2;
	s25 =	sadd.s32 $0x2800, s4;
	[dreg:$0x8] =	wrdreg s24  }
0x13: {  	s20 =	simm.s32 $0x5080;
	s26 =	sadd.s32 $0x3000, s4;
	[dreg:$0x9] =	wrdreg s25  }
0x14: {  	v2 =	vlaneseq.u32;
	s7 =	sadd.s32 $0x300, s2;
	s31 =	sadd.s32 $0x3800, s4;
	[dreg:$0xa] =	wrdreg s26  }
0x15: {  	vm0 =	vmmov $0xffff;
	v1 =	vshrl.u32 v2, $0x3;
	s8 =	smax.u32 s1, $0x1;
	[dreg:$0xb] =	wrdreg s31;
	s26 =	simm.s32 $0x4080  }
0x16: {  	v0 =	vand.u32 $0x7, v2;
	v2 =	vor.u32 $0x8, v2;
	v1 =	vmul.u32 $0x8, v1;
	s21 =	simm.s32 $0x6080;
	s23 =	simm.s32 $0x1;
	s25 =	simm.s32 $0x5  }
.LBB2_1:
0x17: {  	s31 =	rddreg [dreg:$0x4];
	s0 =	simm.s32 $0x9  }
0x18: {  	[tilespmem:s3], [sflag:$0x9] =	stream.linear.gather [hbm4b:s31+s3], $0x80, $0x38;
	[tilespmem:$0x10080] =	vst v63  }
0x19: {  	_ =	swait.ge [sflag:s0], $0x80  }
0x1a: {  	[sflag:s0] =	ssyncset.done $0x0  }
0x1b: {  	[sflag:s0] =	ssyncadd.s32 $0xFFFFFF80  }
0x1c: {  	v3 =	vld [tilespmem:$0x0];
	_ =	sdelay $0x4  }
0x1d: {  	v4 =	vshll.u32 v3, $0x3  }
0x1e: {  	v3 =	vand.u32 $0x7, v3;
	v4 =	vand.u32 $0xFFFFFFC0, v4  }
0x1f: {  	v3 =	vor.u32 v3, v4  }
0x20: {  	v4 =	vperm.xlane v3, v0;
	_ =	sdelay $0x1  }
0x21: {  	v4 =	vadd.s32 v1, v4;
	_ =	sdelay $0x4  }
0x22: {  	[tilespmem:s18], [sflag:$0x1] =	stream.indirect_vreg.gather [hbm4b:s2+s3], $0x80, v4, vm0, $0xb8;
	[tilespmem:$0x10080] =	vst v63  }
0x23: {  	s0 =	simm.s32 $0x880;
	v3 =	vperm.xlane v3, v2  }
0x24: {  	[tilespmem:s0], [sflag:$0x1] =	stream.indirect_vreg.gather [hbm4b:s5+s3], $0x80, v4, vm0, $0xb8;
	[tilespmem:$0x10080] =	vst v63  }
0x25: {  	s1 =	simm.s32 $0x1080;
	v3 =	vadd.s32 v1, v3  }
0x26: {  	[tilespmem:s1], [sflag:$0x1] =	stream.indirect_vreg.gather [hbm4b:s6+s3], $0x80, v4, vm0, $0xb8;
	[tilespmem:$0x10080] =	vst v63  }
0x27: {  	_ = 	snop  }
0x28: {  	[tilespmem:s11], [sflag:$0x1] =	stream.indirect_vreg.gather [hbm4b:s7+s3], $0x80, v4, vm0, $0xb8;
	[tilespmem:$0x10080] =	vst v63  }
0x29: {  	_ = 	snop  }
0x2a: {  	[tilespmem:s14], [sflag:$0x1] =	stream.indirect_vreg.gather [hbm4b:s2+s3], $0x80, v3, vm0, $0xb8;
	[tilespmem:$0x10080] =	vst v63  }
0x2b: {  	_ = 	snop  }
0x2c: {  	[tilespmem:s15], [sflag:$0x1] =	stream.indirect_vreg.gather [hbm4b:s5+s3], $0x80, v3, vm0, $0xb8;
	[tilespmem:$0x10080] =	vst v63  }
0x2d: {  	_ = 	snop  }
0x2e: {  	[tilespmem:s16], [sflag:$0x1] =	stream.indirect_vreg.gather [hbm4b:s6+s3], $0x80, v3, vm0, $0xb8;
	[tilespmem:$0x10080] =	vst v63  }
0x2f: {  	_ = 	snop  }
0x30: {  	[tilespmem:s17], [sflag:$0x1] =	stream.indirect_vreg.gather [hbm4b:s7+s3], $0x80, v3, vm0, $0xb8;
	[tilespmem:$0x10080] =	vst v63  }
0x31: {  	v3 =	vld [tilespmem:$0x10];
	_ =	sdelay $0x4  }
0x32: {  	v57 =	vshll.u32 v3, $0x3  }
0x33: {  	v3 =	vand.u32 $0x7, v3;
	v4 =	vand.u32 $0xFFFFFFC0, v57  }
0x34: {  	v3 =	vor.u32 v3, v4  }
0x35: {  	v4 =	vperm.xlane v3, v0;
	_ =	sdelay $0x1  }
0x36: {  	v4 =	vadd.s32 v1, v4;
	_ =	sdelay $0x4  }
0x37: {  	[tilespmem:s26], [sflag:$0x2] =	stream.indirect_vreg.gather [hbm4b:s2+s3], $0x80, v4, vm0, $0xb8;
	[tilespmem:$0x10080] =	vst v63  }
0x38: {  	v3 =	vperm.xlane v3, v2  }
0x39: {  	[tilespmem:s19], [sflag:$0x2] =	stream.indirect_vreg.gather [hbm4b:s5+s3], $0x80, v4, vm0, $0xb8;
	[tilespmem:$0x10080] =	vst v63  }
0x3a: {  	v3 =	vadd.s32 v1, v3  }
0x3b: {  	[tilespmem:s20], [sflag:$0x2] =	stream.indirect_vreg.gather [hbm4b:s6+s3], $0x80, v4, vm0, $0xb8;
	[tilespmem:$0x10080] =	vst v63  }
0x3c: {  	s4 =	simm.s32 $0x5880  }
0x3d: {  	[tilespmem:s4], [sflag:$0x2] =	stream.indirect_vreg.gather [hbm4b:s7+s3], $0x80, v4, vm0, $0xb8;
	[tilespmem:$0x10080] =	vst v63  }
0x3e: {  	_ = 	snop  }
0x3f: {  	[tilespmem:s21], [sflag:$0x2] =	stream.indirect_vreg.gather [hbm4b:s2+s3], $0x80, v3, vm0, $0xb8;
	[tilespmem:$0x10080] =	vst v63  }
0x40: {  	_ = 	snop  }
0x41: {  	[tilespmem:s9], [sflag:$0x2] =	stream.indirect_vreg.gather [hbm4b:s5+s3], $0x80, v3, vm0, $0xb8;
	[tilespmem:$0x10080] =	vst v63  }
0x42: {  	_ = 	snop  }
0x43: {  	[tilespmem:s10], [sflag:$0x2] =	stream.indirect_vreg.gather [hbm4b:s6+s3], $0x80, v3, vm0, $0xb8;
	[tilespmem:$0x10080] =	vst v63  }
0x44: {  	_ = 	snop  }
0x45: {  	[tilespmem:s13], [sflag:$0x2] =	stream.indirect_vreg.gather [hbm4b:s7+s3], $0x80, v3, vm0, $0xb8;
	[tilespmem:$0x10080] =	vst v63  }
0x46: {  	v3 =	vld [tilespmem:$0x20];
	_ =	sdelay $0x4  }
0x47: {  	v58 =	vshll.u32 v3, $0x3  }
0x48: {  	v3 =	vand.u32 $0x7, v3;
	v4 =	vand.u32 $0xFFFFFFC0, v58  }
0x49: {  	v3 =	vor.u32 v3, v4  }
0x4a: {  	v4 =	vperm.xlane v3, v0;
	_ =	sdelay $0x1  }
0x4b: {  	v4 =	vadd.s32 v1, v4;
	_ =	sdelay $0x4  }
0x4c: {  	[tilespmem:s12], [sflag:$0x3] =	stream.indirect_vreg.gather [hbm4b:s2+s3], $0x80, v4, vm0, $0xb8;
	[tilespmem:$0x10080] =	vst v63  }
0x4d: {  	s22 =	simm.s32 $0x8880;
	v3 =	vperm.xlane v3, v2  }
0x4e: {  	[tilespmem:s22], [sflag:$0x3] =	stream.indirect_vreg.gather [hbm4b:s5+s3], $0x80, v4, vm0, $0xb8;
	[tilespmem:$0x10080] =	vst v63  }
0x4f: {  	s24 =	simm.s32 $0x9080;
	v3 =	vadd.s32 v1, v3  }
0x50: {  	[tilespmem:s24], [sflag:$0x3] =	stream.indirect_vreg.gather [hbm4b:s6+s3], $0x80, v4, vm0, $0xb8;
	[tilespmem:$0x10080] =	vst v63  }
0x51: {  	s31 =	simm.s32 $0x9880  }
0x52: {  	[tilespmem:s31], [sflag:$0x3] =	stream.indirect_vreg.gather [hbm4b:s7+s3], $0x80, v4, vm0, $0xb8;
	[tilespmem:$0x10080] =	vst v63  }
0x53: {  	s24 =	simm.s32 $0xA080  }
0x54: {  	[tilespmem:s24], [sflag:$0x3] =	stream.indirect_vreg.gather [hbm4b:s2+s3], $0x80, v3, vm0, $0xb8;
	[tilespmem:$0x10080] =	vst v63  }
0x55: {  	s31 =	simm.s32 $0xA880  }
0x56: {  	[tilespmem:s31], [sflag:$0x3] =	stream.indirect_vreg.gather [hbm4b:s5+s3], $0x80, v3, vm0, $0xb8;
	[tilespmem:$0x10080] =	vst v63  }
0x57: {  	s24 =	simm.s32 $0xB080  }
0x58: {  	[tilespmem:s24], [sflag:$0x3] =	stream.indirect_vreg.gather [hbm4b:s6+s3], $0x80, v3, vm0, $0xb8;
	[tilespmem:$0x10080] =	vst v63  }
0x59: {  	s31 =	simm.s32 $0xB880  }
0x5a: {  	[tilespmem:s31], [sflag:$0x3] =	stream.indirect_vreg.gather [hbm4b:s7+s3], $0x80, v3, vm0, $0xb8;
	[tilespmem:$0x10080] =	vst v63  }
0x5b: {  	_ =	swait.ge [sflag:s23], $0x4000  }
0x5c: {  	[sflag:s23] =	ssyncset.done $0x0  }
0x5d: {  	s24 =	rddreg [dreg:$0xc];
	[sflag:s23] =	ssyncadd.s32 $0xFFFFC000  }
0x5e: {  	[hbm4b:s24+s3] =	stream.linear.scatter [tilespmem:s18], [sflag:$0x5], $0x4000, $0x38;
	[tilespmem:$0x10080] =	vst v63  }
0x5f: {  	v3 =	vld [tilespmem:$0x30];
	_ =	sdelay $0x4  }
0x60: {  	v59 =	vshll.u32 v3, $0x3  }
0x61: {  	v3 =	vand.u32 $0x7, v3;
	v4 =	vand.u32 $0xFFFFFFC0, v59  }
0x62: {  	v3 =	vor.u32 v3, v4  }
0x63: {  	v4 =	vperm.xlane v3, v0;
	_ =	sdelay $0x1  }
0x64: {  	v4 =	vadd.s32 v1, v4;
	_ =	sdelay $0x3  }
0x65: {  	s22 =	simm.s32 $0xC080  }
0x66: {  	[tilespmem:s22], [sflag:$0x4] =	stream.indirect_vreg.gather [hbm4b:s2+s3], $0x80, v4, vm0, $0xb8;
	[tilespmem:$0x10080] =	vst v63  }
0x67: {  	s24 =	simm.s32 $0xC880;
	v3 =	vperm.xlane v3, v2  }
0x68: {  	[tilespmem:s24], [sflag:$0x4] =	stream.indirect_vreg.gather [hbm4b:s5+s3], $0x80, v4, vm0, $0xb8;
	[tilespmem:$0x10080] =	vst v63  }
0x69: {  	s31 =	simm.s32 $0xD080;
	v3 =	vadd.s32 v1, v3  }
0x6a: {  	[tilespmem:s31], [sflag:$0x4] =	stream.indirect_vreg.gather [hbm4b:s6+s3], $0x80, v4, vm0, $0xb8;
	[tilespmem:$0x10080] =	vst v63  }
0x6b: {  	s31 =	simm.s32 $0xD880  }
0x6c: {  	[tilespmem:s31], [sflag:$0x4] =	stream.indirect_vreg.gather [hbm4b:s7+s3], $0x80, v4, vm0, $0xb8;
	[tilespmem:$0x10080] =	vst v63  }
0x6d: {  	s31 =	simm.s32 $0xE080  }
0x6e: {  	[tilespmem:s31], [sflag:$0x4] =	stream.indirect_vreg.gather [hbm4b:s2+s3], $0x80, v3, vm0, $0xb8;
	[tilespmem:$0x10080] =	vst v63  }
0x6f: {  	s31 =	simm.s32 $0xE880  }
0x70: {  	[tilespmem:s31], [sflag:$0x4] =	stream.indirect_vreg.gather [hbm4b:s5+s3], $0x80, v3, vm0, $0xb8;
	[tilespmem:$0x10080] =	vst v63  }
0x71: {  	s31 =	simm.s32 $0xF080  }
0x72: {  	[tilespmem:s31], [sflag:$0x4] =	stream.indirect_vreg.gather [hbm4b:s6+s3], $0x80, v3, vm0, $0xb8;
	[tilespmem:$0x10080] =	vst v63  }
0x73: {  	s24 =	simm.s32 $0x2;
	s31 =	simm.s32 $0xF880  }
0x74: {  	[tilespmem:s31], [sflag:$0x4] =	stream.indirect_vreg.gather [hbm4b:s7+s3], $0x80, v3, vm0, $0xb8;
	[tilespmem:$0x10080] =	vst v63  }
0x75: {  	_ =	swait.ge [sflag:s24], $0x4000  }
0x76: {  	[sflag:s24] =	ssyncset.done $0x0  }
0x77: {  	s31 =	rddreg [dreg:$0x5];
	[sflag:s24] =	ssyncadd.s32 $0xFFFFC000  }
0x78: {  	[hbm4b:s31+s3] =	stream.linear.scatter [tilespmem:s26], [sflag:$0x6], $0x4000, $0x38;
	[tilespmem:$0x10080] =	vst v63  }
0x79: {  	_ =	swait.ge [sflag:s25], $0x4000  }
0x7a: {  	[sflag:s25] =	ssyncset.done $0x0  }
0x7b: {  	[sflag:s25] =	ssyncadd.s32 $0xFFFFC000  }
0x7c: {  	v3 =	vld [tilespmem:$0x40];
	_ =	sdelay $0x4  }
0x7d: {  	v60 =	vshll.u32 v3, $0x3  }
0x7e: {  	v3 =	vand.u32 $0x7, v3;
	v4 =	vand.u32 $0xFFFFFFC0, v60  }
0x7f: {  	v3 =	vor.u32 v3, v4  }
0x80: {  	v4 =	vperm.xlane v3, v0;
	_ =	sdelay $0x1  }
0x81: {  	v4 =	vadd.s32 v1, v4;
	_ =	sdelay $0x4  }
0x82: {  	[tilespmem:s18], [sflag:$0x1] =	stream.indirect_vreg.gather [hbm4b:s2+s3], $0x80, v4, vm0, $0xb8;
	[tilespmem:$0x10080] =	vst v63  }
0x83: {  	v3 =	vperm.xlane v3, v2  }
0x84: {  	[tilespmem:s0], [sflag:$0x1] =	stream.indirect_vreg.gather [hbm4b:s5+s3], $0x80, v4, vm0, $0xb8;
	[tilespmem:$0x10080] =	vst v63  }
0x85: {  	v3 =	vadd.s32 v1, v3  }
0x86: {  	[tilespmem:s1], [sflag:$0x1] =	stream.indirect_vreg.gather [hbm4b:s6+s3], $0x80, v4, vm0, $0xb8;
	[tilespmem:$0x10080] =	vst v63  }
0x87: {  	_ = 	snop  }
0x88: {  	[tilespmem:s11], [sflag:$0x1] =	stream.indirect_vreg.gather [hbm4b:s7+s3], $0x80, v4, vm0, $0xb8;
	[tilespmem:$0x10080] =	vst v63  }
0x89: {  	_ = 	snop  }
0x8a: {  	[tilespmem:s14], [sflag:$0x1] =	stream.indirect_vreg.gather [hbm4b:s2+s3], $0x80, v3, vm0, $0xb8;
	[tilespmem:$0x10080] =	vst v63  }
0x8b: {  	_ = 	snop  }
0x8c: {  	[tilespmem:s15], [sflag:$0x1] =	stream.indirect_vreg.gather [hbm4b:s5+s3], $0x80, v3, vm0, $0xb8;
	[tilespmem:$0x10080] =	vst v63  }
0x8d: {  	_ = 	snop  }
0x8e: {  	[tilespmem:s16], [sflag:$0x1] =	stream.indirect_vreg.gather [hbm4b:s6+s3], $0x80, v3, vm0, $0xb8;
	[tilespmem:$0x10080] =	vst v63  }
0x8f: {  	s0 =	simm.s32 $0x3  }
0x90: {  	[tilespmem:s17], [sflag:$0x1] =	stream.indirect_vreg.gather [hbm4b:s7+s3], $0x80, v3, vm0, $0xb8;
	[tilespmem:$0x10080] =	vst v63  }
0x91: {  	_ =	swait.ge [sflag:s0], $0x4000  }
0x92: {  	[sflag:s0] =	ssyncset.done $0x0  }
0x93: {  	s1 =	rddreg [dreg:$0x6];
	[sflag:s0] =	ssyncadd.s32 $0xFFFFC000  }
0x94: {  	[hbm4b:s1+s3] =	stream.linear.scatter [tilespmem:s12], [sflag:$0x7], $0x4000, $0x38;
	[tilespmem:$0x10080] =	vst v63  }
0x95: {  	s1 =	simm.s32 $0x6  }
0x96: {  	_ =	swait.ge [sflag:s1], $0x4000  }
0x97: {  	[sflag:s1] =	ssyncset.done $0x0  }
0x98: {  	[sflag:s1] =	ssyncadd.s32 $0xFFFFC000  }
0x99: {  	v3 =	vld [tilespmem:$0x50];
	_ =	sdelay $0x4  }
0x9a: {  	v61 =	vshll.u32 v3, $0x3  }
0x9b: {  	v3 =	vand.u32 $0x7, v3;
	v4 =	vand.u32 $0xFFFFFFC0, v61  }
0x9c: {  	v3 =	vor.u32 v3, v4  }
0x9d: {  	v4 =	vperm.xlane v3, v0;
	_ =	sdelay $0x1  }
0x9e: {  	v4 =	vadd.s32 v1, v4;
	_ =	sdelay $0x4  }
0x9f: {  	[tilespmem:s26], [sflag:$0x2] =	stream.indirect_vreg.gather [hbm4b:s2+s3], $0x80, v4, vm0, $0xb8;
	[tilespmem:$0x10080] =	vst v63  }
0xa0: {  	v3 =	vperm.xlane v3, v2  }
0xa1: {  	[tilespmem:s19], [sflag:$0x2] =	stream.indirect_vreg.gather [hbm4b:s5+s3], $0x80, v4, vm0, $0xb8;
	[tilespmem:$0x10080] =	vst v63  }
0xa2: {  	v3 =	vadd.s32 v1, v3  }
0xa3: {  	[tilespmem:s20], [sflag:$0x2] =	stream.indirect_vreg.gather [hbm4b:s6+s3], $0x80, v4, vm0, $0xb8;
	[tilespmem:$0x10080] =	vst v63  }
0xa4: {  	_ = 	snop  }
0xa5: {  	[tilespmem:s4], [sflag:$0x2] =	stream.indirect_vreg.gather [hbm4b:s7+s3], $0x80, v4, vm0, $0xb8;
	[tilespmem:$0x10080] =	vst v63  }
0xa6: {  	_ = 	snop  }
0xa7: {  	[tilespmem:s21], [sflag:$0x2] =	stream.indirect_vreg.gather [hbm4b:s2+s3], $0x80, v3, vm0, $0xb8;
	[tilespmem:$0x10080] =	vst v63  }
0xa8: {  	_ = 	snop  }
0xa9: {  	[tilespmem:s9], [sflag:$0x2] =	stream.indirect_vreg.gather [hbm4b:s5+s3], $0x80, v3, vm0, $0xb8;
	[tilespmem:$0x10080] =	vst v63  }
0xaa: {  	_ = 	snop  }
0xab: {  	[tilespmem:s10], [sflag:$0x2] =	stream.indirect_vreg.gather [hbm4b:s6+s3], $0x80, v3, vm0, $0xb8;
	[tilespmem:$0x10080] =	vst v63  }
0xac: {  	_ = 	snop  }
0xad: {  	[tilespmem:s13], [sflag:$0x2] =	stream.indirect_vreg.gather [hbm4b:s7+s3], $0x80, v3, vm0, $0xb8;
	[tilespmem:$0x10080] =	vst v63  }
0xae: {  	_ =	swait.ge [sflag:s28], $0x4000  }
0xaf: {  	[sflag:s28] =	ssyncset.done $0x0  }
0xb0: {  	s4 =	rddreg [dreg:$0x7];
	[sflag:s28] =	ssyncadd.s32 $0xFFFFC000  }
0xb1: {  	[hbm4b:s4+s3] =	stream.linear.scatter [tilespmem:s22], [sflag:$0x8], $0x4000, $0x38;
	[tilespmem:$0x10080] =	vst v63  }
0xb2: {  	_ =	swait.ge [sflag:s29], $0x4000  }
0xb3: {  	[sflag:s29] =	ssyncset.done $0x0  }
0xb4: {  	[sflag:s29] =	ssyncadd.s32 $0xFFFFC000  }
0xb5: {  	v3 =	vld [tilespmem:$0x60];
	_ =	sdelay $0x4  }
0xb6: {  	v62 =	vshll.u32 v3, $0x3  }
0xb7: {  	v3 =	vand.u32 $0x7, v3;
	v4 =	vand.u32 $0xFFFFFFC0, v62  }
0xb8: {  	v3 =	vor.u32 v3, v4  }
0xb9: {  	v4 =	vperm.xlane v3, v0;
	_ =	sdelay $0x1  }
0xba: {  	v4 =	vadd.s32 v1, v4;
	_ =	sdelay $0x4  }
0xbb: {  	[tilespmem:s12], [sflag:$0x3] =	stream.indirect_vreg.gather [hbm4b:s2+s3], $0x80, v4, vm0, $0xb8;
	[tilespmem:$0x10080] =	vst v63  }
0xbc: {  	s31 =	simm.s32 $0x8880;
	v3 =	vperm.xlane v3, v2  }
0xbd: {  	[tilespmem:s31], [sflag:$0x3] =	stream.indirect_vreg.gather [hbm4b:s5+s3], $0x80, v4, vm0, $0xb8;
	[tilespmem:$0x10080] =	vst v63  }
0xbe: {  	v3 =	vadd.s32 v1, v3;
	s31 =	simm.s32 $0x9080  }
0xbf: {  	[tilespmem:s31], [sflag:$0x3] =	stream.indirect_vreg.gather [hbm4b:s6+s3], $0x80, v4, vm0, $0xb8;
	[tilespmem:$0x10080] =	vst v63  }
0xc0: {  	s31 =	simm.s32 $0x9880  }
0xc1: {  	[tilespmem:s31], [sflag:$0x3] =	stream.indirect_vreg.gather [hbm4b:s7+s3], $0x80, v4, vm0, $0xb8;
	[tilespmem:$0x10080] =	vst v63  }
0xc2: {  	s31 =	simm.s32 $0xA080  }
0xc3: {  	[tilespmem:s31], [sflag:$0x3] =	stream.indirect_vreg.gather [hbm4b:s2+s3], $0x80, v3, vm0, $0xb8;
	[tilespmem:$0x10080] =	vst v63  }
0xc4: {  	s31 =	simm.s32 $0xA880  }
0xc5: {  	[tilespmem:s31], [sflag:$0x3] =	stream.indirect_vreg.gather [hbm4b:s5+s3], $0x80, v3, vm0, $0xb8;
	[tilespmem:$0x10080] =	vst v63  }
0xc6: {  	s31 =	simm.s32 $0xB080  }
0xc7: {  	[tilespmem:s31], [sflag:$0x3] =	stream.indirect_vreg.gather [hbm4b:s6+s3], $0x80, v3, vm0, $0xb8;
	[tilespmem:$0x10080] =	vst v63  }
0xc8: {  	s31 =	simm.s32 $0xB880  }
0xc9: {  	[tilespmem:s31], [sflag:$0x3] =	stream.indirect_vreg.gather [hbm4b:s7+s3], $0x80, v3, vm0, $0xb8;
	[tilespmem:$0x10080] =	vst v63  }
0xca: {  	_ =	swait.ge [sflag:s23], $0x4000  }
0xcb: {  	[sflag:s23] =	ssyncset.done $0x0  }
0xcc: {  	s4 =	rddreg [dreg:$0x8];
	[sflag:s23] =	ssyncadd.s32 $0xFFFFC000  }
0xcd: {  	[hbm4b:s4+s3] =	stream.linear.scatter [tilespmem:s18], [sflag:$0x5], $0x4000, $0x38;
	[tilespmem:$0x10080] =	vst v63  }
0xce: {  	_ =	swait.ge [sflag:s30], $0x4000  }
0xcf: {  	[sflag:s30] =	ssyncset.done $0x0  }
0xd0: {  	[sflag:s30] =	ssyncadd.s32 $0xFFFFC000  }
0xd1: {  	v3 =	vld [tilespmem:$0x70];
	_ =	sdelay $0x4  }
0xd2: {  	v63 =	vshll.u32 v3, $0x3  }
0xd3: {  	v3 =	vand.u32 $0x7, v3;
	v4 =	vand.u32 $0xFFFFFFC0, v63  }
0xd4: {  	v3 =	vor.u32 v3, v4  }
0xd5: {  	v4 =	vperm.xlane v3, v0;
	_ =	sdelay $0x1  }
0xd6: {  	v4 =	vadd.s32 v1, v4;
	_ =	sdelay $0x4  }
0xd7: {  	[tilespmem:s22], [sflag:$0x4] =	stream.indirect_vreg.gather [hbm4b:s2+s3], $0x80, v4, vm0, $0xb8;
	[tilespmem:$0x10080] =	vst v63  }
0xd8: {  	s31 =	simm.s32 $0xC880;
	v3 =	vperm.xlane v3, v2  }
0xd9: {  	[tilespmem:s31], [sflag:$0x4] =	stream.indirect_vreg.gather [hbm4b:s5+s3], $0x80, v4, vm0, $0xb8;
	[tilespmem:$0x10080] =	vst v63  }
0xda: {  	v3 =	vadd.s32 v1, v3;
	s31 =	simm.s32 $0xD080  }
0xdb: {  	[tilespmem:s31], [sflag:$0x4] =	stream.indirect_vreg.gather [hbm4b:s6+s3], $0x80, v4, vm0, $0xb8;
	[tilespmem:$0x10080] =	vst v63  }
0xdc: {  	s31 =	simm.s32 $0xD880  }
0xdd: {  	[tilespmem:s31], [sflag:$0x4] =	stream.indirect_vreg.gather [hbm4b:s7+s3], $0x80, v4, vm0, $0xb8;
	[tilespmem:$0x10080] =	vst v63  }
0xde: {  	s31 =	simm.s32 $0xE080  }
0xdf: {  	[tilespmem:s31], [sflag:$0x4] =	stream.indirect_vreg.gather [hbm4b:s2+s3], $0x80, v3, vm0, $0xb8;
	[tilespmem:$0x10080] =	vst v63  }
0xe0: {  	s31 =	simm.s32 $0xE880  }
0xe1: {  	[tilespmem:s31], [sflag:$0x4] =	stream.indirect_vreg.gather [hbm4b:s5+s3], $0x80, v3, vm0, $0xb8;
	[tilespmem:$0x10080] =	vst v63  }
0xe2: {  	s31 =	simm.s32 $0xF080  }
0xe3: {  	[tilespmem:s31], [sflag:$0x4] =	stream.indirect_vreg.gather [hbm4b:s6+s3], $0x80, v3, vm0, $0xb8;
	[tilespmem:$0x10080] =	vst v63  }
0xe4: {  	s31 =	simm.s32 $0xF880  }
0xe5: {  	[tilespmem:s31], [sflag:$0x4] =	stream.indirect_vreg.gather [hbm4b:s7+s3], $0x80, v3, vm0, $0xb8;
	[tilespmem:$0x10080] =	vst v63  }
0xe6: {  	_ =	swait.ge [sflag:s24], $0x4000  }
0xe7: {  	[sflag:s24] =	ssyncset.done $0x0  }
0xe8: {  	s4 =	rddreg [dreg:$0x9];
	[sflag:s24] =	ssyncadd.s32 $0xFFFFC000  }
0xe9: {  	[hbm4b:s4+s3] =	stream.linear.scatter [tilespmem:s26], [sflag:$0x6], $0x4000, $0x38;
	[tilespmem:$0x10080] =	vst v63  }
0xea: {  	_ =	swait.ge [sflag:s0], $0x4000  }
0xeb: {  	[sflag:s0] =	ssyncset.done $0x0  }
0xec: {  	s4 =	rddreg [dreg:$0xa];
	[sflag:s0] =	ssyncadd.s32 $0xFFFFC000  }
0xed: {  	[hbm4b:s4+s3] =	stream.linear.scatter [tilespmem:s12], [sflag:$0x7], $0x4000, $0x38;
	[tilespmem:$0x10080] =	vst v63  }
0xee: {  	_ =	swait.ge [sflag:s28], $0x4000  }
0xef: {  	[sflag:s28] =	ssyncset.done $0x0  }
0xf0: {  	s24 =	rddreg [dreg:$0xb];
	[sflag:s28] =	ssyncadd.s32 $0xFFFFC000  }
0xf1: {  	[hbm4b:s24+s3] =	stream.linear.scatter [tilespmem:s22], [sflag:$0x8], $0x4000, $0x38;
	[tilespmem:$0x10080] =	vst v63  }
0xf2: {  	_ =	swait.ge [sflag:s25], $0x4000  }
0xf3: {  	[sflag:s25] =	ssyncset.done $0x0  }
0xf4: {  	[sflag:s25] =	ssyncadd.s32 $0xFFFFC000  }
0xf5: {  	_ =	swait.ge [sflag:s1], $0x4000  }
0xf6: {  	[sflag:s1] =	ssyncset.done $0x0  }
0xf7: {  	[sflag:s1] =	ssyncadd.s32 $0xFFFFC000  }
0xf8: {  	p0 =	sne.s32 s8, $0x1;
	_ =	swait.ge [sflag:s29], $0x4000  }
.Ltmp0:
0xf9: {  	[sflag:s29] =	ssyncset.done $0x0;
	(pc) =	sbr.rel @p0 .LBB2_1-.Ltmp0, $4  }
0xfa: {  	[sflag:s29] =	ssyncadd.s32 $0xFFFFC000  }
0xfb: {  	_ =	swait.ge [sflag:s30], $0x4000  }
0xfc: {  	[sflag:s30] =	ssyncset.done $0x0  }
0xfd: {  	s8 =	sadd.s32 $0xFFFFFFFF, s8;
	[sflag:s30] =	ssyncadd.s32 $0xFFFFC000  }
0xfe: {  	_ =	sfence.sel $0x180000  }
0xff: {  	[bflag:$0x0] =	sbarrier.arrive $0xFFFF  }
0x100: {  	_ =	strace $0x90000047  }
0x101: {  	s0 =	stileid.u32;
	[bflag:$0x2] =	sbarrier.arrive $0xFFFF  }
0x102: {  	p0 =	sne.s32 s0, $0x0;
	s0 =	rddreg [dreg:$0x3]  }
0x103: {  	s0 =	sadd.s32 @!p0 $0x100000, s0  }
0x104: {  	[sflag:s0] =	ssyncadd.tile.s32 @!p0 $0x1;
	_ =	shalt  }
.Lfunc_end2:
_tile_overlayer_lowered:
.L_overlay_start_2:
0x105: {  	(tag) =	ssettag $0x2  }
0x106: {  	s0 =	rddreg [dreg:$0x0];
	s2 =	stileid.u32  }
0x107: {  	s1 =	rddreg [dreg:$0x1];
	p0 =	sne.s32 s2, $0x0  }
0x108: {  	s3 =	rddreg [dreg:$0x2];
	[bflag:$0x3] =	sbarrier.arrive $0xFFFF;
	s2 =	simm.s32 @!p0 $0x1C09  }
0x109: {  	[timem:s3], [sflag:s2] =	dma.local @!p0 [hbm:s0], s1  }
0x10a: {  	s0 =	simm.s32 @!p0 $0x9  }
0x10b: {  	_ =	swait.ge @!p0 [sflag:s0], s1  }
0x10c: {  	s1 =	ssub.s32 @!p0 $0x0, s1;
	[sflag:s0] =	ssyncset.done @!p0 $0x0  }
0x10d: {  	[sflag:s0] =	ssyncadd.s32 @!p0 s1  }
0x10e: {  	[bflag:$0x3] =	sbarrier.arrive $0xFFFF  }
0x10f: {  	_ =	shalt  }

// kernel: kernel.9.cloned.1.call-start
scs
__scs_entry_jumppad:
0x0: {  	(pc) =	sbr.rel $0x88, $3  }
0x1: {  	(tag) =	ssettag $0x0;
	lr =	simm.s32 $0x1  }
0x2: {  	[smem:$0x3F9C] =	sst lr;
	_ =	strace $0xD0000000  }
0x3: {  	_ = 	snop  }
0x4: {  	_ = 	snop  }
0x5: {  	_ = 	snop  }
0x6: {  	_ = 	snop  }
0x7: {  	_ = 	snop  }
__scs_overlays_trampoline_lowered:
0x8: {  	[smem:$0x3FAB] =	sst s0  }
0x9: {  	[smem:$0x3FAC] =	sst s1  }
0xa: {  	[smem:$0x3FAD] =	sst s2  }
0xb: {  	[smem:$0x3FAE] =	sst s3  }
0xc: {  	[smem:$0x3FAF] =	sst s4  }
0xd: {  	[smem:$0x3FB0] =	sst s5  }
0xe: {  	[smem:$0x3FB1] =	sst s6  }
0xf: {  	[smem:$0x3FB2] =	sst s7  }
0x10: {  	[smem:$0x3FB3] =	sst s8  }
0x11: {  	[smem:$0x3FB4] =	sst s9;
	s0 =	simm.s32 @!p0 $0x0  }
0x12: {  	s1 =	sld [smem:$0x3F9A];
	s0 =	simm.s32 @p0 $0x1  }
0x13: {  	[smem:$0x3FB5] =	sst s0;
	s0 =	simm.s32 @!p1 $0x0  }
0x14: {  	s2 =	sld [smem:$0x3F99];
	s0 =	simm.s32 @p1 $0x1  }
0x15: {  	[smem:$0x3FB6] =	sst s0;
	s0 =	simm.s32 @!p2 $0x0  }
0x16: {  	s3 =	sld [smem:$0x3FDB];
	s0 =	simm.s32 @p2 $0x1  }
0x17: {  	s4 =	simm.s32 $0x1BF5;
	[smem:$0x3FB8] =	sst s0  }
0x18: {  	s0 =	sld [smem:$0x3F9B];
	_ =	swait.ge [sflag:s4], $0x0  }
0x19: {  	s7 =	sld [smem:$0x3F9C]  }
0x1a: {  	s8 =	sadd.s32 $0xFFFFE003, lr  }
0x1b: {  	s9 =	sadd.s32 $0xFFFFFEF7, lr;
	s5 =	simm.s32 $0xFFFFFFFF;
	p2 =	slt.u32 s8, $0xFFFFF086  }
0x1c: {  	p1 =	slt.u32 s9, $0xF7A;
	s5 =	simm.s32 @!p2 $0x0  }
0x1d: {  	s5 =	simm.s32 @p1 $0x1;
	p0 =	seq.s32 s7, s2  }
0x1e: {  	s7 =	smul.u32 @!p0 $0xF7A, s2;
	p2 =	seq.s32 @!p0 s5, $0x0  }
0x1f: {  	s9 =	smul.u32 $0xF7A, s1;
	s8 =	simm.s32 @!p0 $0x1BF5;
	p2 =	por !p2, p0  }
0x20: {  	[sflag:s8] =	ssyncset.s32 @!p0 $0xFFFFF086;
	s6 =	sadd.s32 @!p0 s3, s7;
	s7 =	simm.s32 @!p0 $0x108  }
0x21: {  	s3 =	sadd.s32 s3, s9;
	s6 =	sadd.s32 @!p0 $0x88, s6;
	s7 =	simm.s32 @p2 $0x1082  }
0x22: {  	[simem:s7], [sflag:s8] =	dma.local @!p0 [hbm:s6], $0xF7A  }
0x23: {  	s9 =	sor.u32 $0xD0000000, s2;
	s6 =	simm.s32 $0x108;
	_ =	swait.ge @!p0 [sflag:s8], $0x0  }
0x24: {  	s3 =	sadd.s32 $0x88, s3;
	s6 =	simm.s32 @!p1 $0x1082;
	[sflag:s4] =	ssyncset.s32 $0xFFFFF086  }
0x25: {  	[simem:s6], [sflag:s4] =	dma.local [hbm:s3], $0xF7A  }
0x26: {  	[smem:$0x3F9C] =	sst s1;
	(tag) =	ssettag s2;
	_ =	strace s9  }
0x27: {  	s1 =	sld [smem:$0x3FAC]  }
0x28: {  	s2 =	sld [smem:$0x3FAD]  }
0x29: {  	s4 =	sld [smem:$0x3FAF]  }
0x2a: {  	p0 =	seq.s32 s5, $0x0;
	s5 =	sld [smem:$0x3FB0]  }
0x2b: {  	s6 =	sld [smem:$0x3FB1]  }
0x2c: {  	s7 =	sld [smem:$0x3FB2]  }
0x2d: {  	s3 =	simm.s32 $0x108;
	s8 =	sld [smem:$0x3FB3]  }
0x2e: {  	s3 =	simm.s32 @!p0 $0x1082;
	s9 =	sld [smem:$0x3FB4]  }
0x2f: {  	lr =	sadd.s32 s0, s3;
	s0 =	sld [smem:$0x3FAB]  }
0x30: {  	s3 =	sld [smem:$0x3FAE]  }
0x31: {  	[smem:$0x3FB7] =	sst s10  }
0x32: {  	s10 =	sld [smem:$0x3FB5];
	_ =	sdelay $0x3  }
0x33: {  	p0 =	seq.s32 s10, $0x1;
	s10 =	sld [smem:$0x3FB7];
	_ =	sdelay $0x3  }
0x34: {  	[smem:$0x3FB7] =	sst s10  }
0x35: {  	s10 =	sld [smem:$0x3FB6];
	_ =	sdelay $0x3  }
0x36: {  	p1 =	seq.s32 s10, $0x1;
	s10 =	sld [smem:$0x3FB7];
	_ =	sdelay $0x3  }
0x37: {  	[smem:$0x3FB7] =	sst s10  }
0x38: {  	s10 =	sld [smem:$0x3FB8]  }
0x39: {  	_ = 	snop;
	(pc) =	sbr.ind lr, $3  }
0x3a: {  	_ = 	snop  }
0x3b: {  	_ = 	snop  }
0x3c: {  	p2 =	seq.s32 s10, $0x1;
	s10 =	sld [smem:$0x3FB7]  }
0x3d: {  	_ =	shalt  }
0x3e: {  	_ =	shalt  }
0x3f: {  	_ =	shalt  }
0x40: {  	_ =	shalt  }
0x41: {  	_ =	shalt  }
0x42: {  	_ =	shalt  }
0x43: {  	_ =	shalt  }
0x44: {  	_ =	shalt  }
0x45: {  	_ =	shalt  }
0x46: {  	_ =	shalt  }
0x47: {  	_ =	shalt  }
0x48: {  	_ =	shalt  }
0x49: {  	_ =	shalt  }
0x4a: {  	_ =	shalt  }
0x4b: {  	_ =	shalt  }
0x4c: {  	_ =	shalt  }
0x4d: {  	_ =	shalt  }
0x4e: {  	_ =	shalt  }
0x4f: {  	_ =	shalt  }
0x50: {  	_ =	shalt  }
0x51: {  	_ =	shalt  }
0x52: {  	_ =	shalt  }
0x53: {  	_ =	shalt  }
0x54: {  	_ =	shalt  }
0x55: {  	_ =	shalt  }
0x56: {  	_ =	shalt  }
0x57: {  	_ =	shalt  }
0x58: {  	_ =	shalt  }
0x59: {  	_ =	shalt  }
0x5a: {  	_ =	shalt  }
0x5b: {  	_ =	shalt  }
0x5c: {  	_ =	shalt  }
0x5d: {  	_ =	shalt  }
0x5e: {  	_ =	shalt  }
0x5f: {  	_ =	shalt  }
0x60: {  	_ =	shalt  }
0x61: {  	_ =	shalt  }
0x62: {  	_ =	shalt  }
0x63: {  	_ =	shalt  }
0x64: {  	_ =	shalt  }
0x65: {  	_ =	shalt  }
0x66: {  	_ =	shalt  }
0x67: {  	_ =	shalt  }
0x68: {  	_ =	shalt  }
0x69: {  	_ =	shalt  }
0x6a: {  	_ =	shalt  }
0x6b: {  	_ =	shalt  }
0x6c: {  	_ =	shalt  }
0x6d: {  	_ =	shalt  }
0x6e: {  	_ =	shalt  }
0x6f: {  	_ =	shalt  }
0x70: {  	_ =	shalt  }
0x71: {  	_ =	shalt  }
0x72: {  	_ =	shalt  }
0x73: {  	_ =	shalt  }
0x74: {  	_ =	shalt  }
0x75: {  	_ =	shalt  }
0x76: {  	_ =	shalt  }
0x77: {  	_ =	shalt  }
0x78: {  	_ =	shalt  }
0x79: {  	_ =	shalt  }
0x7a: {  	_ =	shalt  }
0x7b: {  	_ =	shalt  }
0x7c: {  	_ =	shalt  }
0x7d: {  	_ =	shalt  }
0x7e: {  	_ =	shalt  }
0x7f: {  	_ =	shalt  }
0x80: {  	_ =	shalt  }
0x81: {  	_ =	shalt  }
0x82: {  	_ =	shalt  }
0x83: {  	_ =	shalt  }
0x84: {  	_ =	shalt  }
0x85: {  	_ =	shalt  }
0x86: {  	_ =	shalt  }
0x87: {  	_ =	shalt  }
.Lfunc_end0:
.L_simem_size_0:
called_computation.1_lowered:
.L_overlay_start_0:
0x88: {  	s2 =	sld [smem:$0x3FD9]  }
0x89: {  	s3 =	sld [smem:$0x3FFE];
	_ =	sdelay $0x1  }
0x8a: {  	s1 =	srdreg.scid  }
0x8b: {  	s0 =	sand.u32 $0x1, s1  }
0x8c: {  	s17 =	sshll.u32 s0, $0xA;
	s2 =	sadd.s32 s3, s2  }
0x8d: {  	s2 =	sadd.s32 s2, s17  }
0x8e: {  	[smem:$0x3FC3] =	sst s2  }
0x8f: {  	_ = 	snop  }
0x90: {  	s18 =	sld [smem:$0x3FC9]  }
0x91: {  	s4 =	sld [smem:$0x3FC8];
	(tm) =	ssettm $0x1  }
0x92: {  	s19 =	sld [smem:$0x3FFB];
	_ =	sdelay $0x3  }
0x93: {  	_ =	strace s19  }
0x94: {  	s2 =	sld [smem:$0x3FFC];
	_ =	sdelay $0x3  }
0x95: {  	_ =	strace s2  }
0x96: {  	s2 =	sld [smem:$0x3FFD];
	_ =	sdelay $0x3  }
0x97: {  	_ =	strace s2  }
0x98: {  	_ =	strace $0x8FFFFFFF  }
0x99: {  	s20 =	sld [smem:$0x3FDB];
	_ =	sdelay $0x1  }
0x9a: {  	s5 =	simm.s32 $_scs_section_size  }
0x9b: {  	s6 =	simm.s32 $_size__tile_overlayer_lowered;
	s7 =	simm.s32 $_tile_overlayer_lowered  }
0x9c: {  	s8 =	simm.s32 $0x1BFF;
	s21 =	sshll.u32 s7, $0x1;
	s5 =	sadd.s32 s5, s20  }
0x9d: {  	s22 =	simm.s32 $0x0;
	s6 =	sshll.u32 s6, $0x1;
	s7 =	sadd.s32 s21, s5  }
0x9e: {  	[timem:s22], [sflag:s8] =	dma.local [hbm:s7], s6  }
0x9f: {  	_ =	swait.ge [sflag:s8], s6  }
0xa0: {  	s6 =	ssub.s32 $0x0, s6;
	[sflag:s8] =	ssyncset.done $0x0  }
0xa1: {  	[sflag:s8] =	ssyncadd.s32 s6;
	_ =	sdelay $0x1  }
0xa2: {  	s23 =	simm.s32 $0x1B8B  }
0xa3: {  	_ =	swait.ge [sflag:s23], $0x1  }
0xa4: {  	[sflag:s23] =	ssyncset.done $0x0  }
0xa5: {  	[sflag:s23] =	ssyncadd.s32 $0xFFFFFFFF  }
0xa6: {  	s6 =	sld [smem:$0x0]  }
0xa7: {  	s7 =	sand.u32 $0xFFFFFFFE, s1  }
0xa8: {  	p0 =	sne.s32 s1, s7  }
0xa9: {  	s7 =	sshll.u32 @p0 s7, $0xE  }
0xaa: {  	s7 =	sadd.s32 @p0 $0x11B8D, s7;
	s8 =	sshll.u32 @p0 s6, $0x11  }
0xab: {  	s7 =	sor.u32 @p0 s8, s7  }
0xac: {  	[sflag:s7] =	ssyncadd.remote.s32 @p0 $0x1;
	_ =	sdelay $0x1  }
0xad: {  	s7 =	simm.s32 @p0 $0x1B8D  }
0xae: {  	_ =	swait.eq @p0 [sflag:s7], $0x1  }
0xaf: {  	[sflag:s7] =	ssyncadd.s32 @p0 $0xFFFFFFFF  }
0xb0: {  	s8 =	sshll.u32 @!p0 s1, $0xE  }
0xb1: {  	s8 =	sor.u32 @!p0 $0x4000, s8;
	s7 =	simm.s32 @!p0 $0x1B8D  }
0xb2: {  	s6 =	sshll.u32 @!p0 s6, $0x11;
	s8 =	sadd.s32 @!p0 $0x11B8D, s8;
	_ =	swait.eq @!p0 [sflag:s7], $0x1  }
0xb3: {  	s6 =	sor.u32 @!p0 s6, s8;
	[sflag:s7] =	ssyncadd.s32 @!p0 $0xFFFFFFFF  }
0xb4: {  	s25 =	simm.s32 $0x1B8E;
	s24 =	sld [smem:$0x3FFE];
	[sflag:s6] =	ssyncadd.remote.s32 @!p0 $0x1  }
0xb5: {  	s26 =	simm.s32 $execute0_lowered;
	[smem:$0x3FD2] =	sst s25  }
0xb6: {  	s7 =	sshll.u32 s26, $0x1;
	_ =	strace $0x80000049;
	[dreg:$0x1] =	wrdreg $0xFFFFFFFF  }
0xb7: {  	s28 =	simm.s32 $_size_execute0_lowered;
	s5 =	sadd.s32 s5, s7;
	[dreg:$0x0] =	wrdreg $0x0  }
0xb8: {  	s7 =	sshll.u32 s28, $0x1;
	[dreg:$0x2] =	wrdreg s5  }
0xb9: {  	[dreg:$0x3] =	wrdreg s7  }
0xba: {  	[dreg:$0x4] =	wrdreg $0xC0  }
0xbb: {  	_ =	task [dreg:s22], $0x5FFFF  }
0xbc: {  	[dreg:$0x1] =	wrdreg $0xFFFFFFFF  }
0xbd: {  	[dreg:$0x0] =	wrdreg $0x60  }
0xbe: {  	[dreg:$0x2] =	wrdreg s18  }
0xbf: {  	[dreg:$0x3] =	wrdreg s4  }
0xc0: {  	[dreg:$0x4] =	wrdreg s24  }
0xc1: {  	[dreg:$0x5] =	wrdreg $0xA  }
0xc2: {  	_ =	task.clear_ibuf [dreg:s22], $0x6FFFF;
	_ =	strace $0x90000049  }
0xc3: {  	s29 =	simm.s32 $0xA;
	_ =	strace $0x8000004B  }
0xc4: {  	_ =	swait.ge [sflag:s29], $0x1  }
0xc5: {  	[sflag:s29] =	ssyncadd.s32 $0xFFFFFFFF  }
0xc6: {  	_ =	strace $0x9000004B  }
0xc7: {  	_ =	sfence  }
0xc8: {  	s30 =	sld [smem:$0x0];
	_ =	sdelay $0x2  }
0xc9: {  	s31 =	sshll.u32 s1, $0xD;
	s1 =	sshrl.u32 s1, $0x2  }
0xca: {  	s4 =	sand.u32 $0x4000, s31;
	s1 =	sadd.s32 s1, s30  }
0xcb: {  	s0 =	sor.u32 s4, s0;
	s1 =	sshll.u32 s1, $0x11  }
0xcc: {  	s0 =	sor.u32 s1, s0  }
0xcd: {  	s0 =	sadd.s32 $0x8F2B, s0  }
0xce: {  	[sflag:s0] =	ssyncadd.remote.s32 $0x1  }
0xcf: {  	_ =	sfence.sel $0xFFFF  }
0xd0: {  	[dreg:$0x0] =	wrdreg $0xFFFFFFFF;
	(pc) =	sbr.abs _section_cstart, $3  }
0xd1: {  	[dreg:$0x1] =	wrdreg $0xFFFFFFFF  }
0xd2: {  	_ =	task.clear_ibuf [dreg:s22], $0x2FFFF;
	_ =	strace $0x9FFFFFFF  }
0xd3: {  	(tm) =	ssettm $0x7FFFFFFF  }
tec
execute0_lowered:
.L_overlay_start_1:
0x0: {  	(tag) =	ssettag $0x1  }
0x1: {  	s4 =	rddreg [dreg:$0x0]  }
0x2: {  	s0 =	srdreg.scid;
	s2 =	rddreg [dreg:$0x1]  }
0x3: {  	s5 =	stileid.u32;
	s6 =	rddreg [dreg:$0x2]  }
0x4: {  	s28 =	simm.s32 $0x8;
	s17 =	simm.s32 $0x80;
	s30 =	simm.s32 $0x880  }
0x5: {  	s31 =	simm.s32 $0x1080;
	s12 =	simm.s32 $0x2880;
	s13 =	simm.s32 $0x3080  }
0x6: {  	s14 =	simm.s32 $0x3880;
	s15 =	simm.s32 $0x4880;
	s16 =	simm.s32 $0x5080  }
0x7: {  	s18 =	simm.s32 $0x5880;
	s19 =	simm.s32 $0x6080;
	s9 =	simm.s32 $0x7080  }
0x8: {  	s11 =	simm.s32 $0x7880;
	s0 =	sand.u32 $0x1, s0;
	s1 =	sshll.u32 s5, $0x1  }
0x9: {  	s10 =	simm.s32 $0x8080;
	s21 =	simm.s32 $0x1;
	s1 =	sor.u32 s0, s1  }
0xa: {  	s5 =	sshll.u32 s5, $0x2;
	s3 =	sshll.u32 s1, $0x6;
	s1 =	sshll.u32 s1, $0xE  }
0xb: {  	s5 =	sor.u32 s3, s5;
	s3 =	simm.s32 $0x0;
	s1 =	sadd.s32 s1, s6  }
0xc: {  	s0 =	ssub.s32 $0x2, s0;
	[smem:$0x7FF] =	sst s3;
	s22 =	sadd.s32 $0x1000, s1  }
0xd: {  	s23 =	sadd.s32 $0x1800, s1;
	_ =	strace $0x8000004A;
	[dreg:$0x5] =	wrdreg s22  }
0xe: {  	s24 =	sshrl.u32 s0, $0x1;
	s25 =	sadd.s32 $0x2000, s1;
	[dreg:$0x6] =	wrdreg s23  }
0xf: {  	s0 =	ssub.s32 s0, s24;
	s26 =	sadd.s32 $0x2800, s1;
	[dreg:$0x7] =	wrdreg s25  }
0x10: {  	s24 =	simm.s32 $0x4;
	s6 =	sadd.s32 $0x3000, s1;
	[dreg:$0x8] =	wrdreg s26  }
0x11: {  	s5 =	sand.u32 $0x1F0, s5;
	s7 =	sadd.s32 $0x3800, s1;
	[dreg:$0x9] =	wrdreg s6  }
0x12: {  	s8 =	sadd.s32 $0x4000, s1;
	s29 =	sadd.s32 $0x4800, s1;
	[dreg:$0xa] =	wrdreg s7  }
0x13: {  	s4 =	sadd.s32 s5, s4;
	s5 =	sadd.s32 $0x200, s2;
	[dreg:$0xb] =	wrdreg s8  }
0x14: {  	v2 =	vlaneseq.u32;
	s6 =	sadd.s32 $0x300, s2;
	s7 =	smax.u32 s0, $0x1;
	[dreg:$0xc] =	wrdreg s29  }
0x15: {  	vm0 =	vmmov $0xffff;
	v1 =	vshrl.u32 v2, $0x3;
	s26 =	simm.s32 $0x7;
	s25 =	simm.s32 $0x4080;
	s4 =	sadd.s32 $0x200, s4  }
0x16: {  	v0 =	vand.u32 $0x7, v2;
	v2 =	vor.u32 $0x8, v2;
	v1 =	vmul.u32 $0x8, v1;
	s23 =	simm.s32 $0x5;
	[dreg:$0x4] =	wrdreg s4;
	s4 =	sadd.s32 $0x100, s2  }
.LBB2_1:
0x17: {  	s29 =	rddreg [dreg:$0x4];
	s0 =	simm.s32 $0x9  }
0x18: {  	[tilespmem:s3], [sflag:$0x9] =	stream.linear.gather [hbm4b:s29+s3], $0x80, $0x38;
	[tilespmem:$0x10080] =	vst v63  }
0x19: {  	_ =	swait.ge [sflag:s0], $0x80  }
0x1a: {  	[sflag:s0] =	ssyncset.done $0x0  }
0x1b: {  	[sflag:s0] =	ssyncadd.s32 $0xFFFFFF80  }
0x1c: {  	v3 =	vld [tilespmem:$0x0];
	_ =	sdelay $0x4  }
0x1d: {  	v4 =	vshll.u32 v3, $0x3  }
0x1e: {  	v3 =	vand.u32 $0x7, v3;
	v4 =	vand.u32 $0xFFFFFFC0, v4  }
0x1f: {  	v3 =	vor.u32 v3, v4  }
0x20: {  	v4 =	vperm.xlane v3, v0;
	_ =	sdelay $0x1  }
0x21: {  	v4 =	vadd.s32 v1, v4;
	_ =	sdelay $0x4  }
0x22: {  	[tilespmem:s17], [sflag:$0x1] =	stream.indirect_vreg.gather [hbm4b:s2+s3], $0x80, v4, vm0, $0xb8;
	[tilespmem:$0x10080] =	vst v63  }
0x23: {  	v3 =	vperm.xlane v3, v2  }
0x24: {  	[tilespmem:s30], [sflag:$0x1] =	stream.indirect_vreg.gather [hbm4b:s4+s3], $0x80, v4, vm0, $0xb8;
	[tilespmem:$0x10080] =	vst v63  }
0x25: {  	v3 =	vadd.s32 v1, v3  }
0x26: {  	[tilespmem:s31], [sflag:$0x1] =	stream.indirect_vreg.gather [hbm4b:s5+s3], $0x80, v4, vm0, $0xb8;
	[tilespmem:$0x10080] =	vst v63  }
0x27: {  	s1 =	simm.s32 $0x1880  }
0x28: {  	[tilespmem:s1], [sflag:$0x1] =	stream.indirect_vreg.gather [hbm4b:s6+s3], $0x80, v4, vm0, $0xb8;
	[tilespmem:$0x10080] =	vst v63  }
0x29: {  	s0 =	simm.s32 $0x2080  }
0x2a: {  	[tilespmem:s0], [sflag:$0x1] =	stream.indirect_vreg.gather [hbm4b:s2+s3], $0x80, v3, vm0, $0xb8;
	[tilespmem:$0x10080] =	vst v63  }
0x2b: {  	_ = 	snop  }
0x2c: {  	[tilespmem:s12], [sflag:$0x1] =	stream.indirect_vreg.gather [hbm4b:s4+s3], $0x80, v3, vm0, $0xb8;
	[tilespmem:$0x10080] =	vst v63  }
0x2d: {  	_ = 	snop  }
0x2e: {  	[tilespmem:s13], [sflag:$0x1] =	stream.indirect_vreg.gather [hbm4b:s5+s3], $0x80, v3, vm0, $0xb8;
	[tilespmem:$0x10080] =	vst v63  }
0x2f: {  	_ = 	snop  }
0x30: {  	[tilespmem:s14], [sflag:$0x1] =	stream.indirect_vreg.gather [hbm4b:s6+s3], $0x80, v3, vm0, $0xb8;
	[tilespmem:$0x10080] =	vst v63  }
0x31: {  	v3 =	vld [tilespmem:$0x10];
	_ =	sdelay $0x4  }
0x32: {  	v57 =	vshll.u32 v3, $0x3  }
0x33: {  	v3 =	vand.u32 $0x7, v3;
	v4 =	vand.u32 $0xFFFFFFC0, v57  }
0x34: {  	v3 =	vor.u32 v3, v4  }
0x35: {  	v4 =	vperm.xlane v3, v0;
	_ =	sdelay $0x1  }
0x36: {  	v4 =	vadd.s32 v1, v4;
	_ =	sdelay $0x4  }
0x37: {  	[tilespmem:s25], [sflag:$0x2] =	stream.indirect_vreg.gather [hbm4b:s2+s3], $0x80, v4, vm0, $0xb8;
	[tilespmem:$0x10080] =	vst v63  }
0x38: {  	v3 =	vperm.xlane v3, v2  }
0x39: {  	[tilespmem:s15], [sflag:$0x2] =	stream.indirect_vreg.gather [hbm4b:s4+s3], $0x80, v4, vm0, $0xb8;
	[tilespmem:$0x10080] =	vst v63  }
0x3a: {  	v3 =	vadd.s32 v1, v3  }
0x3b: {  	[tilespmem:s16], [sflag:$0x2] =	stream.indirect_vreg.gather [hbm4b:s5+s3], $0x80, v4, vm0, $0xb8;
	[tilespmem:$0x10080] =	vst v63  }
0x3c: {  	_ = 	snop  }
0x3d: {  	[tilespmem:s18], [sflag:$0x2] =	stream.indirect_vreg.gather [hbm4b:s6+s3], $0x80, v4, vm0, $0xb8;
	[tilespmem:$0x10080] =	vst v63  }
0x3e: {  	_ = 	snop  }
0x3f: {  	[tilespmem:s19], [sflag:$0x2] =	stream.indirect_vreg.gather [hbm4b:s2+s3], $0x80, v3, vm0, $0xb8;
	[tilespmem:$0x10080] =	vst v63  }
0x40: {  	s8 =	simm.s32 $0x6880  }
0x41: {  	[tilespmem:s8], [sflag:$0x2] =	stream.indirect_vreg.gather [hbm4b:s4+s3], $0x80, v3, vm0, $0xb8;
	[tilespmem:$0x10080] =	vst v63  }
0x42: {  	_ = 	snop  }
0x43: {  	[tilespmem:s9], [sflag:$0x2] =	stream.indirect_vreg.gather [hbm4b:s5+s3], $0x80, v3, vm0, $0xb8;
	[tilespmem:$0x10080] =	vst v63  }
0x44: {  	_ = 	snop  }
0x45: {  	[tilespmem:s11], [sflag:$0x2] =	stream.indirect_vreg.gather [hbm4b:s6+s3], $0x80, v3, vm0, $0xb8;
	[tilespmem:$0x10080] =	vst v63  }
0x46: {  	v3 =	vld [tilespmem:$0x20];
	_ =	sdelay $0x4  }
0x47: {  	v58 =	vshll.u32 v3, $0x3  }
0x48: {  	v3 =	vand.u32 $0x7, v3;
	v4 =	vand.u32 $0xFFFFFFC0, v58  }
0x49: {  	v3 =	vor.u32 v3, v4  }
0x4a: {  	v4 =	vperm.xlane v3, v0;
	_ =	sdelay $0x1  }
0x4b: {  	v4 =	vadd.s32 v1, v4;
	_ =	sdelay $0x4  }
0x4c: {  	[tilespmem:s10], [sflag:$0x3] =	stream.indirect_vreg.gather [hbm4b:s2+s3], $0x80, v4, vm0, $0xb8;
	[tilespmem:$0x10080] =	vst v63  }
0x4d: {  	s20 =	simm.s32 $0x8880;
	v3 =	vperm.xlane v3, v2  }
0x4e: {  	[tilespmem:s20], [sflag:$0x3] =	stream.indirect_vreg.gather [hbm4b:s4+s3], $0x80, v4, vm0, $0xb8;
	[tilespmem:$0x10080] =	vst v63  }
0x4f: {  	s22 =	simm.s32 $0x9080;
	v3 =	vadd.s32 v1, v3  }
0x50: {  	[tilespmem:s22], [sflag:$0x3] =	stream.indirect_vreg.gather [hbm4b:s5+s3], $0x80, v4, vm0, $0xb8;
	[tilespmem:$0x10080] =	vst v63  }
0x51: {  	s29 =	simm.s32 $0x9880  }
0x52: {  	[tilespmem:s29], [sflag:$0x3] =	stream.indirect_vreg.gather [hbm4b:s6+s3], $0x80, v4, vm0, $0xb8;
	[tilespmem:$0x10080] =	vst v63  }
0x53: {  	s22 =	simm.s32 $0xA080  }
0x54: {  	[tilespmem:s22], [sflag:$0x3] =	stream.indirect_vreg.gather [hbm4b:s2+s3], $0x80, v3, vm0, $0xb8;
	[tilespmem:$0x10080] =	vst v63  }
0x55: {  	s29 =	simm.s32 $0xA880  }
0x56: {  	[tilespmem:s29], [sflag:$0x3] =	stream.indirect_vreg.gather [hbm4b:s4+s3], $0x80, v3, vm0, $0xb8;
	[tilespmem:$0x10080] =	vst v63  }
0x57: {  	s22 =	simm.s32 $0xB080  }
0x58: {  	[tilespmem:s22], [sflag:$0x3] =	stream.indirect_vreg.gather [hbm4b:s5+s3], $0x80, v3, vm0, $0xb8;
	[tilespmem:$0x10080] =	vst v63  }
0x59: {  	s29 =	simm.s32 $0xB880  }
0x5a: {  	[tilespmem:s29], [sflag:$0x3] =	stream.indirect_vreg.gather [hbm4b:s6+s3], $0x80, v3, vm0, $0xb8;
	[tilespmem:$0x10080] =	vst v63  }
0x5b: {  	_ =	swait.ge [sflag:s21], $0x4000  }
0x5c: {  	[sflag:s21] =	ssyncset.done $0x0  }
0x5d: {  	s22 =	rddreg [dreg:$0x5];
	[sflag:s21] =	ssyncadd.s32 $0xFFFFC000  }
0x5e: {  	[hbm4b:s22+s3] =	stream.linear.scatter [tilespmem:s17], [sflag:$0x5], $0x4000, $0x38;
	[tilespmem:$0x10080] =	vst v63  }
0x5f: {  	v3 =	vld [tilespmem:$0x30];
	_ =	sdelay $0x4  }
0x60: {  	v59 =	vshll.u32 v3, $0x3  }
0x61: {  	v3 =	vand.u32 $0x7, v3;
	v4 =	vand.u32 $0xFFFFFFC0, v59  }
0x62: {  	v3 =	vor.u32 v3, v4  }
0x63: {  	v4 =	vperm.xlane v3, v0;
	_ =	sdelay $0x1  }
0x64: {  	v4 =	vadd.s32 v1, v4;
	_ =	sdelay $0x3  }
0x65: {  	s20 =	simm.s32 $0xC080  }
0x66: {  	[tilespmem:s20], [sflag:$0x4] =	stream.indirect_vreg.gather [hbm4b:s2+s3], $0x80, v4, vm0, $0xb8;
	[tilespmem:$0x10080] =	vst v63  }
0x67: {  	s22 =	simm.s32 $0xC880;
	v3 =	vperm.xlane v3, v2  }
0x68: {  	[tilespmem:s22], [sflag:$0x4] =	stream.indirect_vreg.gather [hbm4b:s4+s3], $0x80, v4, vm0, $0xb8;
	[tilespmem:$0x10080] =	vst v63  }
0x69: {  	s29 =	simm.s32 $0xD080;
	v3 =	vadd.s32 v1, v3  }
0x6a: {  	[tilespmem:s29], [sflag:$0x4] =	stream.indirect_vreg.gather [hbm4b:s5+s3], $0x80, v4, vm0, $0xb8;
	[tilespmem:$0x10080] =	vst v63  }
0x6b: {  	s29 =	simm.s32 $0xD880  }
0x6c: {  	[tilespmem:s29], [sflag:$0x4] =	stream.indirect_vreg.gather [hbm4b:s6+s3], $0x80, v4, vm0, $0xb8;
	[tilespmem:$0x10080] =	vst v63  }
0x6d: {  	s29 =	simm.s32 $0xE080  }
0x6e: {  	[tilespmem:s29], [sflag:$0x4] =	stream.indirect_vreg.gather [hbm4b:s2+s3], $0x80, v3, vm0, $0xb8;
	[tilespmem:$0x10080] =	vst v63  }
0x6f: {  	s29 =	simm.s32 $0xE880  }
0x70: {  	[tilespmem:s29], [sflag:$0x4] =	stream.indirect_vreg.gather [hbm4b:s4+s3], $0x80, v3, vm0, $0xb8;
	[tilespmem:$0x10080] =	vst v63  }
0x71: {  	s29 =	simm.s32 $0xF080  }
0x72: {  	[tilespmem:s29], [sflag:$0x4] =	stream.indirect_vreg.gather [hbm4b:s5+s3], $0x80, v3, vm0, $0xb8;
	[tilespmem:$0x10080] =	vst v63  }
0x73: {  	s22 =	simm.s32 $0x2;
	s29 =	simm.s32 $0xF880  }
0x74: {  	[tilespmem:s29], [sflag:$0x4] =	stream.indirect_vreg.gather [hbm4b:s6+s3], $0x80, v3, vm0, $0xb8;
	[tilespmem:$0x10080] =	vst v63  }
0x75: {  	_ =	swait.ge [sflag:s22], $0x4000  }
0x76: {  	[sflag:s22] =	ssyncset.done $0x0  }
0x77: {  	s29 =	rddreg [dreg:$0x6];
	[sflag:s22] =	ssyncadd.s32 $0xFFFFC000  }
0x78: {  	[hbm4b:s29+s3] =	stream.linear.scatter [tilespmem:s25], [sflag:$0x6], $0x4000, $0x38;
	[tilespmem:$0x10080] =	vst v63  }
0x79: {  	_ =	swait.ge [sflag:s23], $0x4000  }
0x7a: {  	[sflag:s23] =	ssyncset.done $0x0  }
0x7b: {  	[sflag:s23] =	ssyncadd.s32 $0xFFFFC000  }
0x7c: {  	v3 =	vld [tilespmem:$0x40];
	_ =	sdelay $0x4  }
0x7d: {  	v60 =	vshll.u32 v3, $0x3  }
0x7e: {  	v3 =	vand.u32 $0x7, v3;
	v4 =	vand.u32 $0xFFFFFFC0, v60  }
0x7f: {  	v3 =	vor.u32 v3, v4  }
0x80: {  	v4 =	vperm.xlane v3, v0;
	_ =	sdelay $0x1  }
0x81: {  	v4 =	vadd.s32 v1, v4;
	_ =	sdelay $0x4  }
0x82: {  	[tilespmem:s17], [sflag:$0x1] =	stream.indirect_vreg.gather [hbm4b:s2+s3], $0x80, v4, vm0, $0xb8;
	[tilespmem:$0x10080] =	vst v63  }
0x83: {  	v3 =	vperm.xlane v3, v2  }
0x84: {  	[tilespmem:s30], [sflag:$0x1] =	stream.indirect_vreg.gather [hbm4b:s4+s3], $0x80, v4, vm0, $0xb8;
	[tilespmem:$0x10080] =	vst v63  }
0x85: {  	v3 =	vadd.s32 v1, v3  }
0x86: {  	[tilespmem:s31], [sflag:$0x1] =	stream.indirect_vreg.gather [hbm4b:s5+s3], $0x80, v4, vm0, $0xb8;
	[tilespmem:$0x10080] =	vst v63  }
0x87: {  	_ = 	snop  }
0x88: {  	[tilespmem:s1], [sflag:$0x1] =	stream.indirect_vreg.gather [hbm4b:s6+s3], $0x80, v4, vm0, $0xb8;
	[tilespmem:$0x10080] =	vst v63  }
0x89: {  	_ = 	snop  }
0x8a: {  	[tilespmem:s0], [sflag:$0x1] =	stream.indirect_vreg.gather [hbm4b:s2+s3], $0x80, v3, vm0, $0xb8;
	[tilespmem:$0x10080] =	vst v63  }
0x8b: {  	_ = 	snop  }
0x8c: {  	[tilespmem:s12], [sflag:$0x1] =	stream.indirect_vreg.gather [hbm4b:s4+s3], $0x80, v3, vm0, $0xb8;
	[tilespmem:$0x10080] =	vst v63  }
0x8d: {  	_ = 	snop  }
0x8e: {  	[tilespmem:s13], [sflag:$0x1] =	stream.indirect_vreg.gather [hbm4b:s5+s3], $0x80, v3, vm0, $0xb8;
	[tilespmem:$0x10080] =	vst v63  }
0x8f: {  	s0 =	simm.s32 $0x3  }
0x90: {  	[tilespmem:s14], [sflag:$0x1] =	stream.indirect_vreg.gather [hbm4b:s6+s3], $0x80, v3, vm0, $0xb8;
	[tilespmem:$0x10080] =	vst v63  }
0x91: {  	_ =	swait.ge [sflag:s0], $0x4000  }
0x92: {  	[sflag:s0] =	ssyncset.done $0x0  }
0x93: {  	s1 =	rddreg [dreg:$0x7];
	[sflag:s0] =	ssyncadd.s32 $0xFFFFC000  }
0x94: {  	[hbm4b:s1+s3] =	stream.linear.scatter [tilespmem:s10], [sflag:$0x7], $0x4000, $0x38;
	[tilespmem:$0x10080] =	vst v63  }
0x95: {  	s1 =	simm.s32 $0x6  }
0x96: {  	_ =	swait.ge [sflag:s1], $0x4000  }
0x97: {  	[sflag:s1] =	ssyncset.done $0x0  }
0x98: {  	[sflag:s1] =	ssyncadd.s32 $0xFFFFC000  }
0x99: {  	v3 =	vld [tilespmem:$0x50];
	_ =	sdelay $0x4  }
0x9a: {  	v61 =	vshll.u32 v3, $0x3  }
0x9b: {  	v3 =	vand.u32 $0x7, v3;
	v4 =	vand.u32 $0xFFFFFFC0, v61  }
0x9c: {  	v3 =	vor.u32 v3, v4  }
0x9d: {  	v4 =	vperm.xlane v3, v0;
	_ =	sdelay $0x1  }
0x9e: {  	v4 =	vadd.s32 v1, v4;
	_ =	sdelay $0x4  }
0x9f: {  	[tilespmem:s25], [sflag:$0x2] =	stream.indirect_vreg.gather [hbm4b:s2+s3], $0x80, v4, vm0, $0xb8;
	[tilespmem:$0x10080] =	vst v63  }
0xa0: {  	v3 =	vperm.xlane v3, v2  }
0xa1: {  	[tilespmem:s15], [sflag:$0x2] =	stream.indirect_vreg.gather [hbm4b:s4+s3], $0x80, v4, vm0, $0xb8;
	[tilespmem:$0x10080] =	vst v63  }
0xa2: {  	v3 =	vadd.s32 v1, v3  }
0xa3: {  	[tilespmem:s16], [sflag:$0x2] =	stream.indirect_vreg.gather [hbm4b:s5+s3], $0x80, v4, vm0, $0xb8;
	[tilespmem:$0x10080] =	vst v63  }
0xa4: {  	_ = 	snop  }
0xa5: {  	[tilespmem:s18], [sflag:$0x2] =	stream.indirect_vreg.gather [hbm4b:s6+s3], $0x80, v4, vm0, $0xb8;
	[tilespmem:$0x10080] =	vst v63  }
0xa6: {  	_ = 	snop  }
0xa7: {  	[tilespmem:s19], [sflag:$0x2] =	stream.indirect_vreg.gather [hbm4b:s2+s3], $0x80, v3, vm0, $0xb8;
	[tilespmem:$0x10080] =	vst v63  }
0xa8: {  	_ = 	snop  }
0xa9: {  	[tilespmem:s8], [sflag:$0x2] =	stream.indirect_vreg.gather [hbm4b:s4+s3], $0x80, v3, vm0, $0xb8;
	[tilespmem:$0x10080] =	vst v63  }
0xaa: {  	_ = 	snop  }
0xab: {  	[tilespmem:s9], [sflag:$0x2] =	stream.indirect_vreg.gather [hbm4b:s5+s3], $0x80, v3, vm0, $0xb8;
	[tilespmem:$0x10080] =	vst v63  }
0xac: {  	_ = 	snop  }
0xad: {  	[tilespmem:s11], [sflag:$0x2] =	stream.indirect_vreg.gather [hbm4b:s6+s3], $0x80, v3, vm0, $0xb8;
	[tilespmem:$0x10080] =	vst v63  }
0xae: {  	_ =	swait.ge [sflag:s24], $0x4000  }
0xaf: {  	[sflag:s24] =	ssyncset.done $0x0  }
0xb0: {  	s8 =	rddreg [dreg:$0x8];
	[sflag:s24] =	ssyncadd.s32 $0xFFFFC000  }
0xb1: {  	[hbm4b:s8+s3] =	stream.linear.scatter [tilespmem:s20], [sflag:$0x8], $0x4000, $0x38;
	[tilespmem:$0x10080] =	vst v63  }
0xb2: {  	_ =	swait.ge [sflag:s26], $0x4000  }
0xb3: {  	[sflag:s26] =	ssyncset.done $0x0  }
0xb4: {  	[sflag:s26] =	ssyncadd.s32 $0xFFFFC000  }
0xb5: {  	v3 =	vld [tilespmem:$0x60];
	_ =	sdelay $0x4  }
0xb6: {  	v62 =	vshll.u32 v3, $0x3  }
0xb7: {  	v3 =	vand.u32 $0x7, v3;
	v4 =	vand.u32 $0xFFFFFFC0, v62  }
0xb8: {  	v3 =	vor.u32 v3, v4  }
0xb9: {  	v4 =	vperm.xlane v3, v0;
	_ =	sdelay $0x1  }
0xba: {  	v4 =	vadd.s32 v1, v4;
	_ =	sdelay $0x4  }
0xbb: {  	[tilespmem:s10], [sflag:$0x3] =	stream.indirect_vreg.gather [hbm4b:s2+s3], $0x80, v4, vm0, $0xb8;
	[tilespmem:$0x10080] =	vst v63  }
0xbc: {  	s29 =	simm.s32 $0x8880;
	v3 =	vperm.xlane v3, v2  }
0xbd: {  	[tilespmem:s29], [sflag:$0x3] =	stream.indirect_vreg.gather [hbm4b:s4+s3], $0x80, v4, vm0, $0xb8;
	[tilespmem:$0x10080] =	vst v63  }
0xbe: {  	v3 =	vadd.s32 v1, v3;
	s29 =	simm.s32 $0x9080  }
0xbf: {  	[tilespmem:s29], [sflag:$0x3] =	stream.indirect_vreg.gather [hbm4b:s5+s3], $0x80, v4, vm0, $0xb8;
	[tilespmem:$0x10080] =	vst v63  }
0xc0: {  	s29 =	simm.s32 $0x9880  }
0xc1: {  	[tilespmem:s29], [sflag:$0x3] =	stream.indirect_vreg.gather [hbm4b:s6+s3], $0x80, v4, vm0, $0xb8;
	[tilespmem:$0x10080] =	vst v63  }
0xc2: {  	s29 =	simm.s32 $0xA080  }
0xc3: {  	[tilespmem:s29], [sflag:$0x3] =	stream.indirect_vreg.gather [hbm4b:s2+s3], $0x80, v3, vm0, $0xb8;
	[tilespmem:$0x10080] =	vst v63  }
0xc4: {  	s29 =	simm.s32 $0xA880  }
0xc5: {  	[tilespmem:s29], [sflag:$0x3] =	stream.indirect_vreg.gather [hbm4b:s4+s3], $0x80, v3, vm0, $0xb8;
	[tilespmem:$0x10080] =	vst v63  }
0xc6: {  	s29 =	simm.s32 $0xB080  }
0xc7: {  	[tilespmem:s29], [sflag:$0x3] =	stream.indirect_vreg.gather [hbm4b:s5+s3], $0x80, v3, vm0, $0xb8;
	[tilespmem:$0x10080] =	vst v63  }
0xc8: {  	s29 =	simm.s32 $0xB880  }
0xc9: {  	[tilespmem:s29], [sflag:$0x3] =	stream.indirect_vreg.gather [hbm4b:s6+s3], $0x80, v3, vm0, $0xb8;
	[tilespmem:$0x10080] =	vst v63  }
0xca: {  	_ =	swait.ge [sflag:s21], $0x4000  }
0xcb: {  	[sflag:s21] =	ssyncset.done $0x0  }
0xcc: {  	s8 =	rddreg [dreg:$0x9];
	[sflag:s21] =	ssyncadd.s32 $0xFFFFC000  }
0xcd: {  	[hbm4b:s8+s3] =	stream.linear.scatter [tilespmem:s17], [sflag:$0x5], $0x4000, $0x38;
	[tilespmem:$0x10080] =	vst v63  }
0xce: {  	_ =	swait.ge [sflag:s28], $0x4000  }
0xcf: {  	[sflag:s28] =	ssyncset.done $0x0  }
0xd0: {  	[sflag:s28] =	ssyncadd.s32 $0xFFFFC000  }
0xd1: {  	v3 =	vld [tilespmem:$0x70];
	_ =	sdelay $0x4  }
0xd2: {  	v63 =	vshll.u32 v3, $0x3  }
0xd3: {  	v3 =	vand.u32 $0x7, v3;
	v4 =	vand.u32 $0xFFFFFFC0, v63  }
0xd4: {  	v3 =	vor.u32 v3, v4  }
0xd5: {  	v4 =	vperm.xlane v3, v0;
	_ =	sdelay $0x1  }
0xd6: {  	v4 =	vadd.s32 v1, v4;
	_ =	sdelay $0x4  }
0xd7: {  	[tilespmem:s20], [sflag:$0x4] =	stream.indirect_vreg.gather [hbm4b:s2+s3], $0x80, v4, vm0, $0xb8;
	[tilespmem:$0x10080] =	vst v63  }
0xd8: {  	s29 =	simm.s32 $0xC880;
	v3 =	vperm.xlane v3, v2  }
0xd9: {  	[tilespmem:s29], [sflag:$0x4] =	stream.indirect_vreg.gather [hbm4b:s4+s3], $0x80, v4, vm0, $0xb8;
	[tilespmem:$0x10080] =	vst v63  }
0xda: {  	v3 =	vadd.s32 v1, v3;
	s29 =	simm.s32 $0xD080  }
0xdb: {  	[tilespmem:s29], [sflag:$0x4] =	stream.indirect_vreg.gather [hbm4b:s5+s3], $0x80, v4, vm0, $0xb8;
	[tilespmem:$0x10080] =	vst v63  }
0xdc: {  	s29 =	simm.s32 $0xD880  }
0xdd: {  	[tilespmem:s29], [sflag:$0x4] =	stream.indirect_vreg.gather [hbm4b:s6+s3], $0x80, v4, vm0, $0xb8;
	[tilespmem:$0x10080] =	vst v63  }
0xde: {  	s29 =	simm.s32 $0xE080  }
0xdf: {  	[tilespmem:s29], [sflag:$0x4] =	stream.indirect_vreg.gather [hbm4b:s2+s3], $0x80, v3, vm0, $0xb8;
	[tilespmem:$0x10080] =	vst v63  }
0xe0: {  	s29 =	simm.s32 $0xE880  }
0xe1: {  	[tilespmem:s29], [sflag:$0x4] =	stream.indirect_vreg.gather [hbm4b:s4+s3], $0x80, v3, vm0, $0xb8;
	[tilespmem:$0x10080] =	vst v63  }
0xe2: {  	s29 =	simm.s32 $0xF080  }
0xe3: {  	[tilespmem:s29], [sflag:$0x4] =	stream.indirect_vreg.gather [hbm4b:s5+s3], $0x80, v3, vm0, $0xb8;
	[tilespmem:$0x10080] =	vst v63  }
0xe4: {  	s29 =	simm.s32 $0xF880  }
0xe5: {  	[tilespmem:s29], [sflag:$0x4] =	stream.indirect_vreg.gather [hbm4b:s6+s3], $0x80, v3, vm0, $0xb8;
	[tilespmem:$0x10080] =	vst v63  }
0xe6: {  	_ =	swait.ge [sflag:s22], $0x4000  }
0xe7: {  	[sflag:s22] =	ssyncset.done $0x0  }
0xe8: {  	s8 =	rddreg [dreg:$0xa];
	[sflag:s22] =	ssyncadd.s32 $0xFFFFC000  }
0xe9: {  	[hbm4b:s8+s3] =	stream.linear.scatter [tilespmem:s25], [sflag:$0x6], $0x4000, $0x38;
	[tilespmem:$0x10080] =	vst v63  }
0xea: {  	_ =	swait.ge [sflag:s0], $0x4000  }
0xeb: {  	[sflag:s0] =	ssyncset.done $0x0  }
0xec: {  	s8 =	rddreg [dreg:$0xb];
	[sflag:s0] =	ssyncadd.s32 $0xFFFFC000  }
0xed: {  	[hbm4b:s8+s3] =	stream.linear.scatter [tilespmem:s10], [sflag:$0x7], $0x4000, $0x38;
	[tilespmem:$0x10080] =	vst v63  }
0xee: {  	_ =	swait.ge [sflag:s24], $0x4000  }
0xef: {  	[sflag:s24] =	ssyncset.done $0x0  }
0xf0: {  	s22 =	rddreg [dreg:$0xc];
	[sflag:s24] =	ssyncadd.s32 $0xFFFFC000  }
0xf1: {  	[hbm4b:s22+s3] =	stream.linear.scatter [tilespmem:s20], [sflag:$0x8], $0x4000, $0x38;
	[tilespmem:$0x10080] =	vst v63  }
0xf2: {  	_ =	swait.ge [sflag:s23], $0x4000  }
0xf3: {  	[sflag:s23] =	ssyncset.done $0x0  }
0xf4: {  	[sflag:s23] =	ssyncadd.s32 $0xFFFFC000  }
0xf5: {  	_ =	swait.ge [sflag:s1], $0x4000  }
0xf6: {  	[sflag:s1] =	ssyncset.done $0x0  }
0xf7: {  	[sflag:s1] =	ssyncadd.s32 $0xFFFFC000  }
0xf8: {  	p0 =	sne.s32 s7, $0x1;
	_ =	swait.ge [sflag:s26], $0x4000  }
.Ltmp0:
0xf9: {  	[sflag:s26] =	ssyncset.done $0x0;
	(pc) =	sbr.rel @p0 .LBB2_1-.Ltmp0, $4  }
0xfa: {  	[sflag:s26] =	ssyncadd.s32 $0xFFFFC000  }
0xfb: {  	_ =	swait.ge [sflag:s28], $0x4000  }
0xfc: {  	[sflag:s28] =	ssyncset.done $0x0  }
0xfd: {  	s7 =	sadd.s32 $0xFFFFFFFF, s7;
	[sflag:s28] =	ssyncadd.s32 $0xFFFFC000  }
0xfe: {  	_ =	sfence.sel $0x180000  }
0xff: {  	[bflag:$0x0] =	sbarrier.arrive $0xFFFF  }
0x100: {  	_ =	strace $0x9000004A  }
0x101: {  	s0 =	stileid.u32;
	[bflag:$0x2] =	sbarrier.arrive $0xFFFF  }
0x102: {  	p0 =	sne.s32 s0, $0x0;
	s0 =	rddreg [dreg:$0x3]  }
0x103: {  	s0 =	sadd.s32 @!p0 $0x100000, s0  }
0x104: {  	[sflag:s0] =	ssyncadd.tile.s32 @!p0 $0x1;
	_ =	shalt  }
.Lfunc_end2:
_tile_overlayer_lowered:
.L_overlay_start_2:
0x105: {  	(tag) =	ssettag $0x2  }
0x106: {  	s0 =	rddreg [dreg:$0x0];
	s2 =	stileid.u32  }
0x107: {  	s1 =	rddreg [dreg:$0x1];
	p0 =	sne.s32 s2, $0x0  }
0x108: {  	s3 =	rddreg [dreg:$0x2];
	[bflag:$0x3] =	sbarrier.arrive $0xFFFF;
	s2 =	simm.s32 @!p0 $0x1C09  }
0x109: {  	[timem:s3], [sflag:s2] =	dma.local @!p0 [hbm:s0], s1  }
0x10a: {  	s0 =	simm.s32 @!p0 $0x9  }
0x10b: {  	_ =	swait.ge @!p0 [sflag:s0], s1  }
0x10c: {  	s1 =	ssub.s32 @!p0 $0x0, s1;
	[sflag:s0] =	ssyncset.done @!p0 $0x0  }
0x10d: {  	[sflag:s0] =	ssyncadd.s32 @!p0 s1  }
0x10e: {  	[bflag:$0x3] =	sbarrier.arrive $0xFFFF  }
0x10f: {  	_ =	shalt  }

</sc_bundles>
